<compile_context>
chip_gen: v7x
topology: tpu7x:2x2x1
jax: 0.10.2.dev20260603
libtpu: 0.0.44.dev20260713+nightly
codegen_flags: <defaults>
</compile_context>

<pallas_src>
import functools

import jax
import jax.numpy as jnp
from jax import lax
from jax.experimental import pallas as pl
from jax.experimental.pallas import tpu as pltpu
from jax.experimental.pallas import tpu_sc as plsc

EPS = 1e-12
BETA = 0.25
TM = 4096
TK = 4096
NCH = 8


def _argmax_loss_kernel(z_ref, cb_ref, idx_ref, loss_ref, en_ref,
                        zn_scr, ss_scr, rmax_scr, ridx_scr):
    m = pl.program_id(0)
    k = pl.program_id(1)
    nm = pl.num_programs(0)
    nk = pl.num_programs(1)
    n_tot = nm * TM
    c_dim = z_ref.shape[1]

    @pl.when(jnp.logical_and(m == 0, k == 0))
    def _():
        loss_ref[...] = jnp.zeros_like(loss_ref)

    @pl.when(k == 0)
    def _():
        z = z_ref[...]
        ss = jnp.sum(z * z, axis=-1, keepdims=True)
        ss_scr[...] = ss
        zn_scr[...] = z / (jnp.sqrt(ss) + EPS)
        rmax_scr[...] = jnp.full((TM, 1), -jnp.inf, dtype=jnp.float32)
        ridx_scr[...] = jnp.zeros((TM, 1), dtype=jnp.int32)

    cb = cb_ref[...]
    en = cb / (jnp.sqrt(jnp.sum(cb * cb, axis=-1, keepdims=True)) + EPS)
    en_ref[...] = en

    zn = zn_scr[...]
    ck = TK // NCH
    iota_f = lax.broadcasted_iota(jnp.int32, (TM, ck), 1).astype(jnp.float32)
    for j in range(NCH):
        e = en[j * ck:(j + 1) * ck, :]
        sim = lax.dot_general(zn, e, (((1,), (1,)), ((), ())),
                              preferred_element_type=jnp.float32)
        lmax = jnp.max(sim, axis=1, keepdims=True)
        loc = jnp.min(jnp.where(sim == lmax, iota_f, jnp.float32(3.0e38)),
                      axis=1, keepdims=True)
        lidx = loc.astype(jnp.int32) + (k * TK + j * ck)
        better = lmax > rmax_scr[...]
        ridx_scr[...] = jnp.where(better, lidx, ridx_scr[...])
        rmax_scr[...] = jnp.where(better, lmax, rmax_scr[...])

    @pl.when(k == nk - 1)
    def _():
        idx_ref[...] = ridx_scr[...].reshape(idx_ref.shape)
        ss = ss_scr[...]
        row_loss = 1.0 + ss - 2.0 * rmax_scr[...] * (jnp.sqrt(ss) + EPS)
        loss_ref[...] = loss_ref[...] + jnp.sum(row_loss).reshape(1, 1)

    @pl.when(jnp.logical_and(m == nm - 1, k == nk - 1))
    def _():
        scale = (1.0 + BETA) / (n_tot * c_dim)
        loss_ref[...] = loss_ref[...] * scale


@functools.lru_cache(maxsize=None)
def _make_sc_gather(v_rows, d_cols, n_rows):
    info = plsc.get_sparse_core_info()
    nw = info.num_cores * info.num_subcores
    bpw = n_rows // nw
    mesh = plsc.VectorSubcoreMesh(core_axis_name="c", subcore_axis_name="s")

    nchg = 4
    cs = bpw // nchg

    @functools.partial(
        pl.kernel, mesh=mesh,
        out_type=jax.ShapeDtypeStruct((n_rows, d_cols), jnp.float32),
        scratch_types=(
            [pltpu.VMEM((bpw,), jnp.int32)]
            + [pltpu.VMEM((cs, d_cols), jnp.float32) for _ in range(nchg)]
            + [pltpu.SemaphoreType.DMA for _ in range(2 * nchg)]
        ),
    )
    def gather_k(en_hbm, idx_hbm, out_hbm, idx_v, *bufs_and_sems):
        bufs = bufs_and_sems[:nchg]
        gsems = bufs_and_sems[nchg:2 * nchg]
        ssems = bufs_and_sems[2 * nchg:]
        wid = lax.axis_index("s") * info.num_cores + lax.axis_index("c")
        base = wid * bpw
        pltpu.sync_copy(idx_hbm.at[pl.ds(base, bpw)], idx_v)
        gh = [pltpu.async_copy(en_hbm.at[idx_v.at[pl.ds(ch * cs, cs)]],
                               bufs[ch], gsems[ch])
              for ch in range(nchg)]
        sh = []
        for ch in range(nchg):
            gh[ch].wait()
            sh.append(pltpu.async_copy(
                bufs[ch], out_hbm.at[pl.ds(base + ch * cs, cs)], ssems[ch]))
        for h in sh:
            h.wait()

    return gather_k


def kernel(x, codebook):
    b, c, l = x.shape
    kk, _ = codebook.shape
    n = b * l
    z = jnp.transpose(x, (0, 2, 1)).reshape(n, c)

    idx2, loss, e_n = pl.pallas_call(
        _argmax_loss_kernel,
        grid=(n // TM, kk // TK),
        in_specs=[
            pl.BlockSpec((TM, c), lambda m, k: (m, 0)),
            pl.BlockSpec((TK, c), lambda m, k: (k, 0)),
        ],
        out_specs=[
            pl.BlockSpec((TM // 128, 128), lambda m, k: (m, 0)),
            pl.BlockSpec((1, 1), lambda m, k: (0, 0)),
            pl.BlockSpec((TK, c), lambda m, k: (k, 0)),
        ],
        out_shape=[
            jax.ShapeDtypeStruct((n // 128, 128), jnp.int32),
            jax.ShapeDtypeStruct((1, 1), jnp.float32),
            jax.ShapeDtypeStruct((kk, c), jnp.float32),
        ],
        scratch_shapes=[
            pltpu.VMEM((TM, c), jnp.float32),
            pltpu.VMEM((TM, 1), jnp.float32),
            pltpu.VMEM((TM, 1), jnp.float32),
            pltpu.VMEM((TM, 1), jnp.int32),
        ],
        compiler_params=pltpu.CompilerParams(
            dimension_semantics=("arbitrary", "arbitrary")),
    )(z, codebook)

    idx = idx2.reshape(n)
    q = _make_sc_gather(kk, c, n)(e_n, idx)
    quantized = jnp.transpose(q.reshape(b, l, c), (0, 2, 1))
    return quantized, loss[0, 0]

# --- scband reference (transcript-rebuilt; emitter-appended) ---
"""Pipeline reference for scband-seq-vector-quantizer-31327491457310 (READ-ONLY COPY).

The authoritative reference and input builder live on the scoring server;
editing this copy changes nothing except your own understanding.
"""

import jax, jax.numpy as jnp
import numpy as np

B, C, L = 8, 256, 512
K = 8192
BETA = 0.25


def _l2norm(t, axis=-1, eps=1e-12):
    return t / (jnp.linalg.norm(t, axis=axis, keepdims=True) + eps)


def setup_inputs(seed: int = 0) -> dict:
    key = jax.random.key(seed)
    k1, k2 = jax.random.split(key)
    x = jax.random.normal(k1, (B, C, L), dtype=jnp.float32)
    codebook = jax.random.normal(k2, (K, C), dtype=jnp.float32)
    return {"x": x, "codebook": codebook}


def reference(x, codebook):
    # Faithful vectorization of the per-frame loop: each frame x[:, :, i] is a
    # (batch, emb_dim) set of vectors quantized independently against the same
    # codebook, so processing all frames at once is mathematically identical.
    b, c, l = x.shape
    z = jnp.transpose(x, (0, 2, 1)).reshape(b * l, c)  # (B*L, emb_dim)
    # cosine-similarity codebook lookup (use_cosine_sim=True)
    z_n = _l2norm(z)
    e_n = _l2norm(codebook)
    sim = z_n @ e_n.T  # (B*L, K) -- dominant compute: matmul
    idx = jnp.argmax(sim, axis=-1)
    q = jnp.take(e_n, idx, axis=0)  # quantized (normalized) code vectors
    # VQ loss per vector: commitment + codebook terms
    commit = BETA * jnp.mean((jax.lax.stop_gradient(q) - z) ** 2, axis=-1)
    cb_loss = jnp.mean((q - jax.lax.stop_gradient(z)) ** 2, axis=-1)
    per_vec_loss = commit + cb_loss  # (B*L,)
    losses = per_vec_loss.reshape(b, l)  # losses[:, i] per frame, as in the loop
    # straight-through estimator
    q_st = z + jax.lax.stop_gradient(q - z)
    quantized = jnp.transpose(q_st.reshape(b, l, c), (0, 2, 1))  # (B, C, L)
    average_loss = jnp.mean(losses)
    return quantized, average_loss

if __name__ == "__main__":
    import jax
    _d = setup_inputs()
    print(jax.jit(kernel)(*tuple(_d.values())))

</pallas_src>

<mosaic_0001>
#map = affine_map<(d0, d1) -> (0, 0)>
#map1 = affine_map<(d0, d1) -> (0)>
module attributes {stable_mosaic.version = 14 : i64} {
  func.func @gather_k(%arg0: i32, %arg1: i32, %arg2: memref<8192x256xf32, #tpu.memory_space<hbm>>, %arg3: memref<4096xi32, #tpu.memory_space<hbm>>, %arg4: memref<4096x256xf32, #tpu.memory_space<hbm>>, %arg5: memref<128xi32, #tpu.memory_space<vmem>>, %arg6: memref<32x256xf32, #tpu.memory_space<vmem>>, %arg7: memref<32x256xf32, #tpu.memory_space<vmem>>, %arg8: memref<32x256xf32, #tpu.memory_space<vmem>>, %arg9: memref<32x256xf32, #tpu.memory_space<vmem>>, %arg10: memref<!tpu.dma_semaphore, #tpu.memory_space<semaphore_mem>>, %arg11: memref<!tpu.dma_semaphore, #tpu.memory_space<semaphore_mem>>, %arg12: memref<!tpu.dma_semaphore, #tpu.memory_space<semaphore_mem>>, %arg13: memref<!tpu.dma_semaphore, #tpu.memory_space<semaphore_mem>>, %arg14: memref<!tpu.dma_semaphore, #tpu.memory_space<semaphore_mem>>, %arg15: memref<!tpu.dma_semaphore, #tpu.memory_space<semaphore_mem>>, %arg16: memref<!tpu.dma_semaphore, #tpu.memory_space<semaphore_mem>>, %arg17: memref<!tpu.dma_semaphore, #tpu.memory_space<semaphore_mem>>) attributes {dimension_semantics = [#tpu.dimension_semantics<core_parallel>, #tpu.dimension_semantics<subcore_parallel>], iteration_bounds = array<i64: 2, 16>, scalar_prefetch = 0 : i64, scratch_operands = 13 : i64, tpu.core_type = #tpu.core_type<sc_vector_subcore>, window_params = [{transform_indices = #map}, {transform_indices = #map1}, {transform_indices = #map}]} {
    %mul3A = arith.constant 2 : i32
    %mul3A_0 = arith.muli %arg1, %mul3A : i32
    %add3A = arith.addi %mul3A_0, %arg0 : i32
    %mul3A_1 = arith.constant 128 : i32
    %mul3A_2 = arith.muli %add3A, %mul3A_1 : i32
    "tpu.region"() ({
      %run_scoped3A = tpu.sem_alloc : memref<!tpu.dma_semaphore, #tpu.memory_space<semaphore_mem>>
      %dma_start3A_81 = tpu.memref_slice %arg3[%mul3A_2] : memref<4096xi32, #tpu.memory_space<hbm>> -> memref<128xi32, #tpu.memory_space<hbm>>
      %dma_start3A_82 = tpu.memref_slice %arg3[%mul3A_2] : memref<4096xi32, #tpu.memory_space<hbm>> -> memref<128xi32, #tpu.memory_space<hbm>>
      tpu.enqueue_dma source(%dma_start3A_82 : memref<128xi32, #tpu.memory_space<hbm>>) target(%arg5 : memref<128xi32, #tpu.memory_space<vmem>>) target_semaphore(%run_scoped3A : memref<!tpu.dma_semaphore, #tpu.memory_space<semaphore_mem>>)
      %dma_wait3A_83 = tpu.memref_slice %arg3[%mul3A_2] : memref<4096xi32, #tpu.memory_space<hbm>> -> memref<128xi32, #tpu.memory_space<hbm>>
      %dma_wait3A_84 = tpu.memref_slice %arg3[%mul3A_2] : memref<4096xi32, #tpu.memory_space<hbm>> -> memref<128xi32, #tpu.memory_space<hbm>>
      tpu.wait_dma2 semaphore(%run_scoped3A : memref<!tpu.dma_semaphore, #tpu.memory_space<semaphore_mem>>) src(%dma_wait3A_84 : memref<128xi32, #tpu.memory_space<hbm>>) dst(%arg5 : memref<128xi32, #tpu.memory_space<vmem>>)
      tpu.yield
    }) : () -> ()
    %dma_start3A = arith.constant 0 : i32
    %dma_start3A_3 = tpu.memref_slice %arg5[%dma_start3A] : memref<128xi32, #tpu.memory_space<vmem>> -> memref<32xi32, #tpu.memory_space<vmem>>
    %dma_start3A_4 = arith.constant 0 : i32
    %dma_start3A_5 = arith.constant 0 : i32
    %dma_start3A_6 = tpu.memref_slice %arg2[%dma_start3A_4, %dma_start3A_5] : memref<8192x256xf32, #tpu.memory_space<hbm>> -> memref<8192x256xf32, #tpu.memory_space<hbm>>
    tpu.enqueue_indirect_dma source(%dma_start3A_6 : memref<8192x256xf32, #tpu.memory_space<hbm>>) target(%arg6 : memref<32x256xf32, #tpu.memory_space<vmem>>) offsets(%dma_start3A_3 : memref<32xi32, #tpu.memory_space<vmem>>) semaphore(%arg10 : memref<!tpu.dma_semaphore, #tpu.memory_space<semaphore_mem>>)
    %dma_start3A_7 = arith.constant 32 : i32
    %dma_start3A_8 = tpu.memref_slice %arg5[%dma_start3A_7] : memref<128xi32, #tpu.memory_space<vmem>> -> memref<32xi32, #tpu.memory_space<vmem>>
    %dma_start3A_9 = arith.constant 0 : i32
    %dma_start3A_10 = arith.constant 0 : i32
    %dma_start3A_11 = tpu.memref_slice %arg2[%dma_start3A_9, %dma_start3A_10] : memref<8192x256xf32, #tpu.memory_space<hbm>> -> memref<8192x256xf32, #tpu.memory_space<hbm>>
    tpu.enqueue_indirect_dma source(%dma_start3A_11 : memref<8192x256xf32, #tpu.memory_space<hbm>>) target(%arg7 : memref<32x256xf32, #tpu.memory_space<vmem>>) offsets(%dma_start3A_8 : memref<32xi32, #tpu.memory_space<vmem>>) semaphore(%arg11 : memref<!tpu.dma_semaphore, #tpu.memory_space<semaphore_mem>>)
    %dma_start3A_12 = arith.constant 64 : i32
    %dma_start3A_13 = tpu.memref_slice %arg5[%dma_start3A_12] : memref<128xi32, #tpu.memory_space<vmem>> -> memref<32xi32, #tpu.memory_space<vmem>>
    %dma_start3A_14 = arith.constant 0 : i32
    %dma_start3A_15 = arith.constant 0 : i32
    %dma_start3A_16 = tpu.memref_slice %arg2[%dma_start3A_14, %dma_start3A_15] : memref<8192x256xf32, #tpu.memory_space<hbm>> -> memref<8192x256xf32, #tpu.memory_space<hbm>>
    tpu.enqueue_indirect_dma source(%dma_start3A_16 : memref<8192x256xf32, #tpu.memory_space<hbm>>) target(%arg8 : memref<32x256xf32, #tpu.memory_space<vmem>>) offsets(%dma_start3A_13 : memref<32xi32, #tpu.memory_space<vmem>>) semaphore(%arg12 : memref<!tpu.dma_semaphore, #tpu.memory_space<semaphore_mem>>)
    %dma_start3A_17 = arith.constant 96 : i32
    %dma_start3A_18 = tpu.memref_slice %arg5[%dma_start3A_17] : memref<128xi32, #tpu.memory_space<vmem>> -> memref<32xi32, #tpu.memory_space<vmem>>
    %dma_start3A_19 = arith.constant 0 : i32
    %dma_start3A_20 = arith.constant 0 : i32
    %dma_start3A_21 = tpu.memref_slice %arg2[%dma_start3A_19, %dma_start3A_20] : memref<8192x256xf32, #tpu.memory_space<hbm>> -> memref<8192x256xf32, #tpu.memory_space<hbm>>
    tpu.enqueue_indirect_dma source(%dma_start3A_21 : memref<8192x256xf32, #tpu.memory_space<hbm>>) target(%arg9 : memref<32x256xf32, #tpu.memory_space<vmem>>) offsets(%dma_start3A_18 : memref<32xi32, #tpu.memory_space<vmem>>) semaphore(%arg13 : memref<!tpu.dma_semaphore, #tpu.memory_space<semaphore_mem>>)
    %dma_wait3A = arith.constant 0 : i32
    %dma_wait3A_22 = tpu.memref_slice %arg5[%dma_wait3A] : memref<128xi32, #tpu.memory_space<vmem>> -> memref<32xi32, #tpu.memory_space<vmem>>
    %dma_wait3A_23 = arith.constant 0 : i32
    %dma_wait3A_24 = arith.constant 0 : i32
    %dma_wait3A_25 = tpu.memref_slice %arg2[%dma_wait3A_23, %dma_wait3A_24] : memref<8192x256xf32, #tpu.memory_space<hbm>> -> memref<8192x256xf32, #tpu.memory_space<hbm>>
    tpu.wait_indirect_dma semaphore(%arg10 : memref<!tpu.dma_semaphore, #tpu.memory_space<semaphore_mem>>) src(%dma_wait3A_25 : memref<8192x256xf32, #tpu.memory_space<hbm>>) dst(%arg6 : memref<32x256xf32, #tpu.memory_space<vmem>>)
    %add3A_26 = arith.constant 0 : i32
    %add3A_27 = arith.addi %mul3A_2, %add3A_26 : i32
    %dma_start3A_28 = arith.constant 0 : i32
    %dma_start3A_29 = tpu.memref_slice %arg4[%add3A_27, %dma_start3A_28] : memref<4096x256xf32, #tpu.memory_space<hbm>> -> memref<32x256xf32, #tpu.memory_space<hbm>>
    %dma_start3A_30 = arith.constant 0 : i32
    %dma_start3A_31 = tpu.memref_slice %arg4[%add3A_27, %dma_start3A_30] : memref<4096x256xf32, #tpu.memory_space<hbm>> -> memref<32x256xf32, #tpu.memory_space<hbm>>
    tpu.enqueue_dma source(%arg6 : memref<32x256xf32, #tpu.memory_space<vmem>>) target(%dma_start3A_31 : memref<32x256xf32, #tpu.memory_space<hbm>>) target_semaphore(%arg14 : memref<!tpu.dma_semaphore, #tpu.memory_space<semaphore_mem>>)
    %dma_wait3A_32 = arith.constant 32 : i32
    %dma_wait3A_33 = tpu.memref_slice %arg5[%dma_wait3A_32] : memref<128xi32, #tpu.memory_space<vmem>> -> memref<32xi32, #tpu.memory_space<vmem>>
    %dma_wait3A_34 = arith.constant 0 : i32
    %dma_wait3A_35 = arith.constant 0 : i32
    %dma_wait3A_36 = tpu.memref_slice %arg2[%dma_wait3A_34, %dma_wait3A_35] : memref<8192x256xf32, #tpu.memory_space<hbm>> -> memref<8192x256xf32, #tpu.memory_space<hbm>>
    tpu.wait_indirect_dma semaphore(%arg11 : memref<!tpu.dma_semaphore, #tpu.memory_space<semaphore_mem>>) src(%dma_wait3A_36 : memref<8192x256xf32, #tpu.memory_space<hbm>>) dst(%arg7 : memref<32x256xf32, #tpu.memory_space<vmem>>)
    %add3A_37 = arith.constant 32 : i32
    %add3A_38 = arith.addi %mul3A_2, %add3A_37 : i32
    %dma_start3A_39 = arith.constant 0 : i32
    %dma_start3A_40 = tpu.memref_slice %arg4[%add3A_38, %dma_start3A_39] : memref<4096x256xf32, #tpu.memory_space<hbm>> -> memref<32x256xf32, #tpu.memory_space<hbm>>
    %dma_start3A_41 = arith.constant 0 : i32
    %dma_start3A_42 = tpu.memref_slice %arg4[%add3A_38, %dma_start3A_41] : memref<4096x256xf32, #tpu.memory_space<hbm>> -> memref<32x256xf32, #tpu.memory_space<hbm>>
    tpu.enqueue_dma source(%arg7 : memref<32x256xf32, #tpu.memory_space<vmem>>) target(%dma_start3A_42 : memref<32x256xf32, #tpu.memory_space<hbm>>) target_semaphore(%arg15 : memref<!tpu.dma_semaphore, #tpu.memory_space<semaphore_mem>>)
    %dma_wait3A_43 = arith.constant 64 : i32
    %dma_wait3A_44 = tpu.memref_slice %arg5[%dma_wait3A_43] : memref<128xi32, #tpu.memory_space<vmem>> -> memref<32xi32, #tpu.memory_space<vmem>>
    %dma_wait3A_45 = arith.constant 0 : i32
    %dma_wait3A_46 = arith.constant 0 : i32
    %dma_wait3A_47 = tpu.memref_slice %arg2[%dma_wait3A_45, %dma_wait3A_46] : memref<8192x256xf32, #tpu.memory_space<hbm>> -> memref<8192x256xf32, #tpu.memory_space<hbm>>
    tpu.wait_indirect_dma semaphore(%arg12 : memref<!tpu.dma_semaphore, #tpu.memory_space<semaphore_mem>>) src(%dma_wait3A_47 : memref<8192x256xf32, #tpu.memory_space<hbm>>) dst(%arg8 : memref<32x256xf32, #tpu.memory_space<vmem>>)
    %add3A_48 = arith.constant 64 : i32
    %add3A_49 = arith.addi %mul3A_2, %add3A_48 : i32
    %dma_start3A_50 = arith.constant 0 : i32
    %dma_start3A_51 = tpu.memref_slice %arg4[%add3A_49, %dma_start3A_50] : memref<4096x256xf32, #tpu.memory_space<hbm>> -> memref<32x256xf32, #tpu.memory_space<hbm>>
    %dma_start3A_52 = arith.constant 0 : i32
    %dma_start3A_53 = tpu.memref_slice %arg4[%add3A_49, %dma_start3A_52] : memref<4096x256xf32, #tpu.memory_space<hbm>> -> memref<32x256xf32, #tpu.memory_space<hbm>>
    tpu.enqueue_dma source(%arg8 : memref<32x256xf32, #tpu.memory_space<vmem>>) target(%dma_start3A_53 : memref<32x256xf32, #tpu.memory_space<hbm>>) target_semaphore(%arg16 : memref<!tpu.dma_semaphore, #tpu.memory_space<semaphore_mem>>)
    %dma_wait3A_54 = arith.constant 96 : i32
    %dma_wait3A_55 = tpu.memref_slice %arg5[%dma_wait3A_54] : memref<128xi32, #tpu.memory_space<vmem>> -> memref<32xi32, #tpu.memory_space<vmem>>
    %dma_wait3A_56 = arith.constant 0 : i32
    %dma_wait3A_57 = arith.constant 0 : i32
    %dma_wait3A_58 = tpu.memref_slice %arg2[%dma_wait3A_56, %dma_wait3A_57] : memref<8192x256xf32, #tpu.memory_space<hbm>> -> memref<8192x256xf32, #tpu.memory_space<hbm>>
    tpu.wait_indirect_dma semaphore(%arg13 : memref<!tpu.dma_semaphore, #tpu.memory_space<semaphore_mem>>) src(%dma_wait3A_58 : memref<8192x256xf32, #tpu.memory_space<hbm>>) dst(%arg9 : memref<32x256xf32, #tpu.memory_space<vmem>>)
    %add3A_59 = arith.constant 96 : i32
    %add3A_60 = arith.addi %mul3A_2, %add3A_59 : i32
    %dma_start3A_61 = arith.constant 0 : i32
    %dma_start3A_62 = tpu.memref_slice %arg4[%add3A_60, %dma_start3A_61] : memref<4096x256xf32, #tpu.memory_space<hbm>> -> memref<32x256xf32, #tpu.memory_space<hbm>>
    %dma_start3A_63 = arith.constant 0 : i32
    %dma_start3A_64 = tpu.memref_slice %arg4[%add3A_60, %dma_start3A_63] : memref<4096x256xf32, #tpu.memory_space<hbm>> -> memref<32x256xf32, #tpu.memory_space<hbm>>
    tpu.enqueue_dma source(%arg9 : memref<32x256xf32, #tpu.memory_space<vmem>>) target(%dma_start3A_64 : memref<32x256xf32, #tpu.memory_space<hbm>>) target_semaphore(%arg17 : memref<!tpu.dma_semaphore, #tpu.memory_space<semaphore_mem>>)
    %dma_wait3A_65 = arith.constant 0 : i32
    %dma_wait3A_66 = tpu.memref_slice %arg4[%add3A_27, %dma_wait3A_65] : memref<4096x256xf32, #tpu.memory_space<hbm>> -> memref<32x256xf32, #tpu.memory_space<hbm>>
    %dma_wait3A_67 = arith.constant 0 : i32
    %dma_wait3A_68 = tpu.memref_slice %arg4[%add3A_27, %dma_wait3A_67] : memref<4096x256xf32, #tpu.memory_space<hbm>> -> memref<32x256xf32, #tpu.memory_space<hbm>>
    tpu.wait_dma2 semaphore(%arg14 : memref<!tpu.dma_semaphore, #tpu.memory_space<semaphore_mem>>) src(%arg6 : memref<32x256xf32, #tpu.memory_space<vmem>>) dst(%dma_wait3A_68 : memref<32x256xf32, #tpu.memory_space<hbm>>)
    %dma_wait3A_69 = arith.constant 0 : i32
    %dma_wait3A_70 = tpu.memref_slice %arg4[%add3A_38, %dma_wait3A_69] : memref<4096x256xf32, #tpu.memory_space<hbm>> -> memref<32x256xf32, #tpu.memory_space<hbm>>
    %dma_wait3A_71 = arith.constant 0 : i32
    %dma_wait3A_72 = tpu.memref_slice %arg4[%add3A_38, %dma_wait3A_71] : memref<4096x256xf32, #tpu.memory_space<hbm>> -> memref<32x256xf32, #tpu.memory_space<hbm>>
    tpu.wait_dma2 semaphore(%arg15 : memref<!tpu.dma_semaphore, #tpu.memory_space<semaphore_mem>>) src(%arg7 : memref<32x256xf32, #tpu.memory_space<vmem>>) dst(%dma_wait3A_72 : memref<32x256xf32, #tpu.memory_space<hbm>>)
    %dma_wait3A_73 = arith.constant 0 : i32
    %dma_wait3A_74 = tpu.memref_slice %arg4[%add3A_49, %dma_wait3A_73] : memref<4096x256xf32, #tpu.memory_space<hbm>> -> memref<32x256xf32, #tpu.memory_space<hbm>>
    %dma_wait3A_75 = arith.constant 0 : i32
    %dma_wait3A_76 = tpu.memref_slice %arg4[%add3A_49, %dma_wait3A_75] : memref<4096x256xf32, #tpu.memory_space<hbm>> -> memref<32x256xf32, #tpu.memory_space<hbm>>
    tpu.wait_dma2 semaphore(%arg16 : memref<!tpu.dma_semaphore, #tpu.memory_space<semaphore_mem>>) src(%arg8 : memref<32x256xf32, #tpu.memory_space<vmem>>) dst(%dma_wait3A_76 : memref<32x256xf32, #tpu.memory_space<hbm>>)
    %dma_wait3A_77 = arith.constant 0 : i32
    %dma_wait3A_78 = tpu.memref_slice %arg4[%add3A_60, %dma_wait3A_77] : memref<4096x256xf32, #tpu.memory_space<hbm>> -> memref<32x256xf32, #tpu.memory_space<hbm>>
    %dma_wait3A_79 = arith.constant 0 : i32
    %dma_wait3A_80 = tpu.memref_slice %arg4[%add3A_60, %dma_wait3A_79] : memref<4096x256xf32, #tpu.memory_space<hbm>> -> memref<32x256xf32, #tpu.memory_space<hbm>>
    tpu.wait_dma2 semaphore(%arg17 : memref<!tpu.dma_semaphore, #tpu.memory_space<semaphore_mem>>) src(%arg9 : memref<32x256xf32, #tpu.memory_space<vmem>>) dst(%dma_wait3A_80 : memref<32x256xf32, #tpu.memory_space<hbm>>)
    return
  }
}

module attributes {stable_mosaic.version = 14 : i64} {
  func.func @_argmax_loss_kernel(%arg0: i32, %arg1: i32, %arg2: memref<4096x256xf32, #tpu.memory_space<vmem>>, %arg3: memref<4096x256xf32, #tpu.memory_space<vmem>>, %arg4: memref<32x128xi32, #tpu.memory_space<vmem>>, %arg5: memref<1x1xf32, #tpu.memory_space<vmem>>, %arg6: memref<4096x256xf32, #tpu.memory_space<vmem>>, %arg7: memref<4096x256xf32, #tpu.memory_space<vmem>>, %arg8: memref<4096x1xf32, #tpu.memory_space<vmem>>, %arg9: memref<4096x1xf32, #tpu.memory_space<vmem>>, %arg10: memref<4096x1xi32, #tpu.memory_space<vmem>>) attributes {dimension_semantics = [#tpu.dimension_semantics<arbitrary>, #tpu.dimension_semantics<arbitrary>], iteration_bounds = array<i64: 1, 2>, scalar_prefetch = 0 : i64, scratch_operands = 4 : i64, tpu.core_type = #tpu.core_type<tc>, window_params = [{transform_indices = @transform_0, window_bounds = array<i64: 4096, 256>}, {transform_indices = @transform_1, window_bounds = array<i64: 4096, 256>}, {transform_indices = @transform_2, window_bounds = array<i64: 32, 128>}, {pipeline_mode = #tpu.pipeline_mode<synchronous>, transform_indices = @transform_3, window_bounds = array<i64: 1, 1>}, {transform_indices = @transform_4, window_bounds = array<i64: 4096, 256>}]} {
    %eq3A = arith.constant 0 : i32
    %eq3A_0 = arith.cmpi eq, %arg0, %eq3A : i32
    %eq3A_1 = arith.constant 0 : i32
    %eq3A_2 = arith.cmpi eq, %arg1, %eq3A_1 : i32
    %and3A = arith.andi %eq3A_0, %eq3A_2 : i1
    %convert_element_type3A = arith.extui %and3A : i1 to i32
    %cond3A = arith.constant 0 : i32
    %cond3A_3 = arith.cmpi ne, %convert_element_type3A, %cond3A : i32
    scf.if %cond3A_3 {
      %broadcast_in_dim3A_339 = arith.constant 0.000000e+00 : f32
      %broadcast_in_dim3A_340 = vector.broadcast %broadcast_in_dim3A_339 : f32 to vector<1x1xf32>
      %swap3A_341 = arith.constant 0 : index
      %swap3A_342 = arith.constant 0 : index
      %swap3A_343 = vector.load %arg5[%swap3A_341, %swap3A_342] : memref<1x1xf32, #tpu.memory_space<vmem>>, vector<1x1xf32>
      tpu.vector_store %arg5[%swap3A_341, %swap3A_342], %broadcast_in_dim3A_340 {strides = array<i32>} : memref<1x1xf32, #tpu.memory_space<vmem>>, vector<1x1xf32>,
    } else {
    }
    %eq3A_4 = arith.constant 0 : i32
    %eq3A_5 = arith.cmpi eq, %arg1, %eq3A_4 : i32
    %convert_element_type3A_6 = arith.extui %eq3A_5 : i1 to i32
    %cond3A_7 = arith.constant 0 : i32
    %cond3A_8 = arith.cmpi ne, %convert_element_type3A_6, %cond3A_7 : i32
    scf.if %cond3A_8 {
      %get3A_339 = arith.constant 0 : index
      %get3A_340 = arith.constant 0 : index
      %get3A_341 = vector.load %arg2[%get3A_339, %get3A_340] : memref<4096x256xf32, #tpu.memory_space<vmem>>, vector<4096x256xf32>
      %mul3A_342 = arith.mulf %get3A_341, %get3A_341 : vector<4096x256xf32>
      %reduce_sum3A_343 = arith.constant dense<0.000000e+00> : vector<4096xf32>
      %reduce_sum3A_344 = vector.multi_reduction <add>, %mul3A_342, %reduce_sum3A_343 [1] : vector<4096x256xf32> to vector<4096xf32>
      %broadcast_in_dim3A_345 = vector.shape_cast %reduce_sum3A_344 : vector<4096xf32> to vector<4096x1xf32>
      %swap3A_346 = arith.constant 0 : index
      %swap3A_347 = arith.constant 0 : index
      %swap3A_348 = vector.load %arg8[%swap3A_346, %swap3A_347] : memref<4096x1xf32, #tpu.memory_space<vmem>>, vector<4096x1xf32>
      tpu.vector_store %arg8[%swap3A_346, %swap3A_347], %broadcast_in_dim3A_345 {strides = array<i32>} : memref<4096x1xf32, #tpu.memory_space<vmem>>, vector<4096x1xf32>,
      %sqrt3A_349 = math.sqrt %broadcast_in_dim3A_345 : vector<4096x1xf32>
      %add3A_350 = arith.constant 9.99999996E-13 : f32
      %add3A_351 = vector.broadcast %add3A_350 : f32 to vector<4096x1xf32>
      %add3A_352 = arith.addf %sqrt3A_349, %add3A_351 : vector<4096x1xf32>
      %div3A_353 = vector.broadcast %add3A_352 : vector<4096x1xf32> to vector<4096x256xf32>
      %div3A_354 = arith.divf %get3A_341, %div3A_353 : vector<4096x256xf32>
      %swap3A_355 = arith.constant 0 : index
      %swap3A_356 = arith.constant 0 : index
      %swap3A_357 = vector.load %arg7[%swap3A_355, %swap3A_356] : memref<4096x256xf32, #tpu.memory_space<vmem>>, vector<4096x256xf32>
      tpu.vector_store %arg7[%swap3A_355, %swap3A_356], %div3A_354 {strides = array<i32>} : memref<4096x256xf32, #tpu.memory_space<vmem>>, vector<4096x256xf32>,
      %broadcast_in_dim3A_358 = arith.constant 0xFF800000 : f32
      %broadcast_in_dim3A_359 = vector.broadcast %broadcast_in_dim3A_358 : f32 to vector<4096x1xf32>
      %swap3A_360 = arith.constant 0 : index
      %swap3A_361 = arith.constant 0 : index
      %swap3A_362 = vector.load %arg9[%swap3A_360, %swap3A_361] : memref<4096x1xf32, #tpu.memory_space<vmem>>, vector<4096x1xf32>
      tpu.vector_store %arg9[%swap3A_360, %swap3A_361], %broadcast_in_dim3A_359 {strides = array<i32>} : memref<4096x1xf32, #tpu.memory_space<vmem>>, vector<4096x1xf32>,
      %broadcast_in_dim3A_363 = arith.constant 0 : i32
      %broadcast_in_dim3A_364 = vector.broadcast %broadcast_in_dim3A_363 : i32 to vector<4096x1xi32>
      %swap3A_365 = arith.constant 0 : index
      %swap3A_366 = arith.constant 0 : index
      %swap3A_367 = vector.load %arg10[%swap3A_365, %swap3A_366] : memref<4096x1xi32, #tpu.memory_space<vmem>>, vector<4096x1xi32>
      tpu.vector_store %arg10[%swap3A_365, %swap3A_366], %broadcast_in_dim3A_364 {strides = array<i32>} : memref<4096x1xi32, #tpu.memory_space<vmem>>, vector<4096x1xi32>,
    } else {
    }
    %get3A = arith.constant 0 : index
    %get3A_9 = arith.constant 0 : index
    %get3A_10 = vector.load %arg3[%get3A, %get3A_9] : memref<4096x256xf32, #tpu.memory_space<vmem>>, vector<4096x256xf32>
    %mul3A = arith.mulf %get3A_10, %get3A_10 : vector<4096x256xf32>
    %reduce_sum3A = arith.constant dense<0.000000e+00> : vector<4096xf32>
    %reduce_sum3A_11 = vector.multi_reduction <add>, %mul3A, %reduce_sum3A [1] : vector<4096x256xf32> to vector<4096xf32>
    %broadcast_in_dim3A = vector.shape_cast %reduce_sum3A_11 : vector<4096xf32> to vector<4096x1xf32>
    %sqrt3A = math.sqrt %broadcast_in_dim3A : vector<4096x1xf32>
    %add3A = arith.constant 9.99999996E-13 : f32
    %add3A_12 = vector.broadcast %add3A : f32 to vector<4096x1xf32>
    %add3A_13 = arith.addf %sqrt3A, %add3A_12 : vector<4096x1xf32>
    %div3A = vector.broadcast %add3A_13 : vector<4096x1xf32> to vector<4096x256xf32>
    %div3A_14 = arith.divf %get3A_10, %div3A : vector<4096x256xf32>
    %swap3A = arith.constant 0 : index
    %swap3A_15 = arith.constant 0 : index
    %swap3A_16 = vector.load %arg6[%swap3A, %swap3A_15] : memref<4096x256xf32, #tpu.memory_space<vmem>>, vector<4096x256xf32>
    tpu.vector_store %arg6[%swap3A, %swap3A_15], %div3A_14 {strides = array<i32>} : memref<4096x256xf32, #tpu.memory_space<vmem>>, vector<4096x256xf32>,
    %get3A_17 = arith.constant 0 : index
    %get3A_18 = arith.constant 0 : index
    %get3A_19 = vector.load %arg7[%get3A_17, %get3A_18] : memref<4096x256xf32, #tpu.memory_space<vmem>>, vector<4096x256xf32>
    %iota3A = tpu.iota {dimensions = array<i32: 1>} : vector<4096x512xi32>
    %convert_element_type3A_20 = arith.sitofp %iota3A : vector<4096x512xi32> to vector<4096x512xf32>
    %slice3A = vector.extract_strided_slice %div3A_14 {offsets = [0, 0], sizes = [512, 256], strides = [1, 1]} : vector<4096x256xf32> to vector<512x256xf32>
    %dot_general3A = arith.constant dense<0.000000e+00> : vector<4096x512xf32>
    %dot_general3A_21 = tpu.matmul %get3A_19, %slice3A, %dot_general3A {dimension_numbers = #tpu.dot_dimension_numbers<[1], [1], [0], [0], [0, 0, 1, 0], [], []>, transpose_lhs_hint = false} : vector<4096x256xf32>, vector<512x256xf32>, vector<4096x512xf32> -> vector<4096x512xf32>
    %reduce_max3A = arith.constant dense<0xFF800000> : vector<4096xf32>
    %reduce_max3A_22 = vector.multi_reduction <maximumf>, %dot_general3A_21, %reduce_max3A [1] : vector<4096x512xf32> to vector<4096xf32>
    %broadcast_in_dim3A_23 = vector.shape_cast %reduce_max3A_22 : vector<4096xf32> to vector<4096x1xf32>
    %eq3A_24 = vector.broadcast %broadcast_in_dim3A_23 : vector<4096x1xf32> to vector<4096x512xf32>
    %eq3A_25 = arith.cmpf oeq, %dot_general3A_21, %eq3A_24 : vector<4096x512xf32>
    %jit3A = arith.constant 3.000000e+38 : f32
    %broadcast_in_dim3A_26 = vector.broadcast %jit3A : f32 to vector<4096x512xf32>
    %select_n3A = arith.select %eq3A_25, %convert_element_type3A_20, %broadcast_in_dim3A_26 : vector<4096x512xi1>, vector<4096x512xf32>
    %reduce_min3A = arith.constant dense<0x7F800000> : vector<4096xf32>
    %reduce_min3A_27 = vector.multi_reduction <minimumf>, %select_n3A, %reduce_min3A [1] : vector<4096x512xf32> to vector<4096xf32>
    %broadcast_in_dim3A_28 = vector.shape_cast %reduce_min3A_27 : vector<4096xf32> to vector<4096x1xf32>
    %convert_element_type3A_29 = arith.fptosi %broadcast_in_dim3A_28 : vector<4096x1xf32> to vector<4096x1xi32>
    %mul3A_30 = arith.constant 4096 : i32
    %mul3A_31 = arith.muli %arg1, %mul3A_30 : i32
    %add3A_32 = arith.constant 0 : i32
    %add3A_33 = arith.addi %mul3A_31, %add3A_32 : i32
    %add3A_34 = vector.broadcast %add3A_33 : i32 to vector<4096x1xi32>
    %add3A_35 = arith.addi %convert_element_type3A_29, %add3A_34 : vector<4096x1xi32>
    %get3A_36 = arith.constant 0 : index
    %get3A_37 = arith.constant 0 : index
    %get3A_38 = vector.load %arg9[%get3A_36, %get3A_37] : memref<4096x1xf32, #tpu.memory_space<vmem>>, vector<4096x1xf32>
    %gt3A = arith.cmpf ogt, %broadcast_in_dim3A_23, %get3A_38 : vector<4096x1xf32>
    %get3A_39 = arith.constant 0 : index
    %get3A_40 = arith.constant 0 : index
    %get3A_41 = vector.load %arg10[%get3A_39, %get3A_40] : memref<4096x1xi32, #tpu.memory_space<vmem>>, vector<4096x1xi32>
    %select_n3A_42 = arith.select %gt3A, %add3A_35, %get3A_41 : vector<4096x1xi1>, vector<4096x1xi32>
    %swap3A_43 = arith.constant 0 : index
    %swap3A_44 = arith.constant 0 : index
    %swap3A_45 = vector.load %arg10[%swap3A_43, %swap3A_44] : memref<4096x1xi32, #tpu.memory_space<vmem>>, vector<4096x1xi32>
    tpu.vector_store %arg10[%swap3A_43, %swap3A_44], %select_n3A_42 {strides = array<i32>} : memref<4096x1xi32, #tpu.memory_space<vmem>>, vector<4096x1xi32>,
    %get3A_46 = arith.constant 0 : index
    %get3A_47 = arith.constant 0 : index
    %get3A_48 = vector.load %arg9[%get3A_46, %get3A_47] : memref<4096x1xf32, #tpu.memory_space<vmem>>, vector<4096x1xf32>
    %select_n3A_49 = arith.select %gt3A, %broadcast_in_dim3A_23, %get3A_48 : vector<4096x1xi1>, vector<4096x1xf32>
    %swap3A_50 = arith.constant 0 : index
    %swap3A_51 = arith.constant 0 : index
    %swap3A_52 = vector.load %arg9[%swap3A_50, %swap3A_51] : memref<4096x1xf32, #tpu.memory_space<vmem>>, vector<4096x1xf32>
    tpu.vector_store %arg9[%swap3A_50, %swap3A_51], %select_n3A_49 {strides = array<i32>} : memref<4096x1xf32, #tpu.memory_space<vmem>>, vector<4096x1xf32>,
    %slice3A_53 = vector.extract_strided_slice %div3A_14 {offsets = [512, 0], sizes = [512, 256], strides = [1, 1]} : vector<4096x256xf32> to vector<512x256xf32>
    %dot_general3A_54 = arith.constant dense<0.000000e+00> : vector<4096x512xf32>
    %dot_general3A_55 = tpu.matmul %get3A_19, %slice3A_53, %dot_general3A_54 {dimension_numbers = #tpu.dot_dimension_numbers<[1], [1], [0], [0], [0, 0, 1, 0], [], []>, transpose_lhs_hint = false} : vector<4096x256xf32>, vector<512x256xf32>, vector<4096x512xf32> -> vector<4096x512xf32>
    %reduce_max3A_56 = arith.constant dense<0xFF800000> : vector<4096xf32>
    %reduce_max3A_57 = vector.multi_reduction <maximumf>, %dot_general3A_55, %reduce_max3A_56 [1] : vector<4096x512xf32> to vector<4096xf32>
    %broadcast_in_dim3A_58 = vector.shape_cast %reduce_max3A_57 : vector<4096xf32> to vector<4096x1xf32>
    %eq3A_59 = vector.broadcast %broadcast_in_dim3A_58 : vector<4096x1xf32> to vector<4096x512xf32>
    %eq3A_60 = arith.cmpf oeq, %dot_general3A_55, %eq3A_59 : vector<4096x512xf32>
    %jit3A_61 = arith.constant 3.000000e+38 : f32
    %broadcast_in_dim3A_62 = vector.broadcast %jit3A_61 : f32 to vector<4096x512xf32>
    %select_n3A_63 = arith.select %eq3A_60, %convert_element_type3A_20, %broadcast_in_dim3A_62 : vector<4096x512xi1>, vector<4096x512xf32>
    %reduce_min3A_64 = arith.constant dense<0x7F800000> : vector<4096xf32>
    %reduce_min3A_65 = vector.multi_reduction <minimumf>, %select_n3A_63, %reduce_min3A_64 [1] : vector<4096x512xf32> to vector<4096xf32>
    %broadcast_in_dim3A_66 = vector.shape_cast %reduce_min3A_65 : vector<4096xf32> to vector<4096x1xf32>
    %convert_element_type3A_67 = arith.fptosi %broadcast_in_dim3A_66 : vector<4096x1xf32> to vector<4096x1xi32>
    %mul3A_68 = arith.constant 4096 : i32
    %mul3A_69 = arith.muli %arg1, %mul3A_68 : i32
    %add3A_70 = arith.constant 512 : i32
    %add3A_71 = arith.addi %mul3A_69, %add3A_70 : i32
    %add3A_72 = vector.broadcast %add3A_71 : i32 to vector<4096x1xi32>
    %add3A_73 = arith.addi %convert_element_type3A_67, %add3A_72 : vector<4096x1xi32>
    %get3A_74 = arith.constant 0 : index
    %get3A_75 = arith.constant 0 : index
    %get3A_76 = vector.load %arg9[%get3A_74, %get3A_75] : memref<4096x1xf32, #tpu.memory_space<vmem>>, vector<4096x1xf32>
    %gt3A_77 = arith.cmpf ogt, %broadcast_in_dim3A_58, %get3A_76 : vector<4096x1xf32>
    %get3A_78 = arith.constant 0 : index
    %get3A_79 = arith.constant 0 : index
    %get3A_80 = vector.load %arg10[%get3A_78, %get3A_79] : memref<4096x1xi32, #tpu.memory_space<vmem>>, vector<4096x1xi32>
    %select_n3A_81 = arith.select %gt3A_77, %add3A_73, %get3A_80 : vector<4096x1xi1>, vector<4096x1xi32>
    %swap3A_82 = arith.constant 0 : index
    %swap3A_83 = arith.constant 0 : index
    %swap3A_84 = vector.load %arg10[%swap3A_82, %swap3A_83] : memref<4096x1xi32, #tpu.memory_space<vmem>>, vector<4096x1xi32>
    tpu.vector_store %arg10[%swap3A_82, %swap3A_83], %select_n3A_81 {strides = array<i32>} : memref<4096x1xi32, #tpu.memory_space<vmem>>, vector<4096x1xi32>,
    %get3A_85 = arith.constant 0 : index
    %get3A_86 = arith.constant 0 : index
    %get3A_87 = vector.load %arg9[%get3A_85, %get3A_86] : memref<4096x1xf32, #tpu.memory_space<vmem>>, vector<4096x1xf32>
    %select_n3A_88 = arith.select %gt3A_77, %broadcast_in_dim3A_58, %get3A_87 : vector<4096x1xi1>, vector<4096x1xf32>
    %swap3A_89 = arith.constant 0 : index
    %swap3A_90 = arith.constant 0 : index
    %swap3A_91 = vector.load %arg9[%swap3A_89, %swap3A_90] : memref<4096x1xf32, #tpu.memory_space<vmem>>, vector<4096x1xf32>
    tpu.vector_store %arg9[%swap3A_89, %swap3A_90], %select_n3A_88 {strides = array<i32>} : memref<4096x1xf32, #tpu.memory_space<vmem>>, vector<4096x1xf32>,
    %slice3A_92 = vector.extract_strided_slice %div3A_14 {offsets = [1024, 0], sizes = [512, 256], strides = [1, 1]} : vector<4096x256xf32> to vector<512x256xf32>
    %dot_general3A_93 = arith.constant dense<0.000000e+00> : vector<4096x512xf32>
    %dot_general3A_94 = tpu.matmul %get3A_19, %slice3A_92, %dot_general3A_93 {dimension_numbers = #tpu.dot_dimension_numbers<[1], [1], [0], [0], [0, 0, 1, 0], [], []>, transpose_lhs_hint = false} : vector<4096x256xf32>, vector<512x256xf32>, vector<4096x512xf32> -> vector<4096x512xf32>
    %reduce_max3A_95 = arith.constant dense<0xFF800000> : vector<4096xf32>
    %reduce_max3A_96 = vector.multi_reduction <maximumf>, %dot_general3A_94, %reduce_max3A_95 [1] : vector<4096x512xf32> to vector<4096xf32>
    %broadcast_in_dim3A_97 = vector.shape_cast %reduce_max3A_96 : vector<4096xf32> to vector<4096x1xf32>
    %eq3A_98 = vector.broadcast %broadcast_in_dim3A_97 : vector<4096x1xf32> to vector<4096x512xf32>
    %eq3A_99 = arith.cmpf oeq, %dot_general3A_94, %eq3A_98 : vector<4096x512xf32>
    %jit3A_100 = arith.constant 3.000000e+38 : f32
    %broadcast_in_dim3A_101 = vector.broadcast %jit3A_100 : f32 to vector<4096x512xf32>
    %select_n3A_102 = arith.select %eq3A_99, %convert_element_type3A_20, %broadcast_in_dim3A_101 : vector<4096x512xi1>, vector<4096x512xf32>
    %reduce_min3A_103 = arith.constant dense<0x7F800000> : vector<4096xf32>
    %reduce_min3A_104 = vector.multi_reduction <minimumf>, %select_n3A_102, %reduce_min3A_103 [1] : vector<4096x512xf32> to vector<4096xf32>
    %broadcast_in_dim3A_105 = vector.shape_cast %reduce_min3A_104 : vector<4096xf32> to vector<4096x1xf32>
    %convert_element_type3A_106 = arith.fptosi %broadcast_in_dim3A_105 : vector<4096x1xf32> to vector<4096x1xi32>
    %mul3A_107 = arith.constant 4096 : i32
    %mul3A_108 = arith.muli %arg1, %mul3A_107 : i32
    %add3A_109 = arith.constant 1024 : i32
    %add3A_110 = arith.addi %mul3A_108, %add3A_109 : i32
    %add3A_111 = vector.broadcast %add3A_110 : i32 to vector<4096x1xi32>
    %add3A_112 = arith.addi %convert_element_type3A_106, %add3A_111 : vector<4096x1xi32>
    %get3A_113 = arith.constant 0 : index
    %get3A_114 = arith.constant 0 : index
    %get3A_115 = vector.load %arg9[%get3A_113, %get3A_114] : memref<4096x1xf32, #tpu.memory_space<vmem>>, vector<4096x1xf32>
    %gt3A_116 = arith.cmpf ogt, %broadcast_in_dim3A_97, %get3A_115 : vector<4096x1xf32>
    %get3A_117 = arith.constant 0 : index
    %get3A_118 = arith.constant 0 : index
    %get3A_119 = vector.load %arg10[%get3A_117, %get3A_118] : memref<4096x1xi32, #tpu.memory_space<vmem>>, vector<4096x1xi32>
    %select_n3A_120 = arith.select %gt3A_116, %add3A_112, %get3A_119 : vector<4096x1xi1>, vector<4096x1xi32>
    %swap3A_121 = arith.constant 0 : index
    %swap3A_122 = arith.constant 0 : index
    %swap3A_123 = vector.load %arg10[%swap3A_121, %swap3A_122] : memref<4096x1xi32, #tpu.memory_space<vmem>>, vector<4096x1xi32>
    tpu.vector_store %arg10[%swap3A_121, %swap3A_122], %select_n3A_120 {strides = array<i32>} : memref<4096x1xi32, #tpu.memory_space<vmem>>, vector<4096x1xi32>,
    %get3A_124 = arith.constant 0 : index
    %get3A_125 = arith.constant 0 : index
    %get3A_126 = vector.load %arg9[%get3A_124, %get3A_125] : memref<4096x1xf32, #tpu.memory_space<vmem>>, vector<4096x1xf32>
    %select_n3A_127 = arith.select %gt3A_116, %broadcast_in_dim3A_97, %get3A_126 : vector<4096x1xi1>, vector<4096x1xf32>
    %swap3A_128 = arith.constant 0 : index
    %swap3A_129 = arith.constant 0 : index
    %swap3A_130 = vector.load %arg9[%swap3A_128, %swap3A_129] : memref<4096x1xf32, #tpu.memory_space<vmem>>, vector<4096x1xf32>
    tpu.vector_store %arg9[%swap3A_128, %swap3A_129], %select_n3A_127 {strides = array<i32>} : memref<4096x1xf32, #tpu.memory_space<vmem>>, vector<4096x1xf32>,
    %slice3A_131 = vector.extract_strided_slice %div3A_14 {offsets = [1536, 0], sizes = [512, 256], strides = [1, 1]} : vector<4096x256xf32> to vector<512x256xf32>
    %dot_general3A_132 = arith.constant dense<0.000000e+00> : vector<4096x512xf32>
    %dot_general3A_133 = tpu.matmul %get3A_19, %slice3A_131, %dot_general3A_132 {dimension_numbers = #tpu.dot_dimension_numbers<[1], [1], [0], [0], [0, 0, 1, 0], [], []>, transpose_lhs_hint = false} : vector<4096x256xf32>, vector<512x256xf32>, vector<4096x512xf32> -> vector<4096x512xf32>
    %reduce_max3A_134 = arith.constant dense<0xFF800000> : vector<4096xf32>
    %reduce_max3A_135 = vector.multi_reduction <maximumf>, %dot_general3A_133, %reduce_max3A_134 [1] : vector<4096x512xf32> to vector<4096xf32>
    %broadcast_in_dim3A_136 = vector.shape_cast %reduce_max3A_135 : vector<4096xf32> to vector<4096x1xf32>
    %eq3A_137 = vector.broadcast %broadcast_in_dim3A_136 : vector<4096x1xf32> to vector<4096x512xf32>
    %eq3A_138 = arith.cmpf oeq, %dot_general3A_133, %eq3A_137 : vector<4096x512xf32>
    %jit3A_139 = arith.constant 3.000000e+38 : f32
    %broadcast_in_dim3A_140 = vector.broadcast %jit3A_139 : f32 to vector<4096x512xf32>
    %select_n3A_141 = arith.select %eq3A_138, %convert_element_type3A_20, %broadcast_in_dim3A_140 : vector<4096x512xi1>, vector<4096x512xf32>
    %reduce_min3A_142 = arith.constant dense<0x7F800000> : vector<4096xf32>
    %reduce_min3A_143 = vector.multi_reduction <minimumf>, %select_n3A_141, %reduce_min3A_142 [1] : vector<4096x512xf32> to vector<4096xf32>
    %broadcast_in_dim3A_144 = vector.shape_cast %reduce_min3A_143 : vector<4096xf32> to vector<4096x1xf32>
    %convert_element_type3A_145 = arith.fptosi %broadcast_in_dim3A_144 : vector<4096x1xf32> to vector<4096x1xi32>
    %mul3A_146 = arith.constant 4096 : i32
    %mul3A_147 = arith.muli %arg1, %mul3A_146 : i32
    %add3A_148 = arith.constant 1536 : i32
    %add3A_149 = arith.addi %mul3A_147, %add3A_148 : i32
    %add3A_150 = vector.broadcast %add3A_149 : i32 to vector<4096x1xi32>
    %add3A_151 = arith.addi %convert_element_type3A_145, %add3A_150 : vector<4096x1xi32>
    %get3A_152 = arith.constant 0 : index
    %get3A_153 = arith.constant 0 : index
    %get3A_154 = vector.load %arg9[%get3A_152, %get3A_153] : memref<4096x1xf32, #tpu.memory_space<vmem>>, vector<4096x1xf32>
    %gt3A_155 = arith.cmpf ogt, %broadcast_in_dim3A_136, %get3A_154 : vector<4096x1xf32>
    %get3A_156 = arith.constant 0 : index
    %get3A_157 = arith.constant 0 : index
    %get3A_158 = vector.load %arg10[%get3A_156, %get3A_157] : memref<4096x1xi32, #tpu.memory_space<vmem>>, vector<4096x1xi32>
    %select_n3A_159 = arith.select %gt3A_155, %add3A_151, %get3A_158 : vector<4096x1xi1>, vector<4096x1xi32>
    %swap3A_160 = arith.constant 0 : index
    %swap3A_161 = arith.constant 0 : index
    %swap3A_162 = vector.load %arg10[%swap3A_160, %swap3A_161] : memref<4096x1xi32, #tpu.memory_space<vmem>>, vector<4096x1xi32>
    tpu.vector_store %arg10[%swap3A_160, %swap3A_161], %select_n3A_159 {strides = array<i32>} : memref<4096x1xi32, #tpu.memory_space<vmem>>, vector<4096x1xi32>,
    %get3A_163 = arith.constant 0 : index
    %get3A_164 = arith.constant 0 : index
    %get3A_165 = vector.load %arg9[%get3A_163, %get3A_164] : memref<4096x1xf32, #tpu.memory_space<vmem>>, vector<4096x1xf32>
    %select_n3A_166 = arith.select %gt3A_155, %broadcast_in_dim3A_136, %get3A_165 : vector<4096x1xi1>, vector<4096x1xf32>
    %swap3A_167 = arith.constant 0 : index
    %swap3A_168 = arith.constant 0 : index
    %swap3A_169 = vector.load %arg9[%swap3A_167, %swap3A_168] : memref<4096x1xf32, #tpu.memory_space<vmem>>, vector<4096x1xf32>
    tpu.vector_store %arg9[%swap3A_167, %swap3A_168], %select_n3A_166 {strides = array<i32>} : memref<4096x1xf32, #tpu.memory_space<vmem>>, vector<4096x1xf32>,
    %slice3A_170 = vector.extract_strided_slice %div3A_14 {offsets = [2048, 0], sizes = [512, 256], strides = [1, 1]} : vector<4096x256xf32> to vector<512x256xf32>
    %dot_general3A_171 = arith.constant dense<0.000000e+00> : vector<4096x512xf32>
    %dot_general3A_172 = tpu.matmul %get3A_19, %slice3A_170, %dot_general3A_171 {dimension_numbers = #tpu.dot_dimension_numbers<[1], [1], [0], [0], [0, 0, 1, 0], [], []>, transpose_lhs_hint = false} : vector<4096x256xf32>, vector<512x256xf32>, vector<4096x512xf32> -> vector<4096x512xf32>
    %reduce_max3A_173 = arith.constant dense<0xFF800000> : vector<4096xf32>
    %reduce_max3A_174 = vector.multi_reduction <maximumf>, %dot_general3A_172, %reduce_max3A_173 [1] : vector<4096x512xf32> to vector<4096xf32>
    %broadcast_in_dim3A_175 = vector.shape_cast %reduce_max3A_174 : vector<4096xf32> to vector<4096x1xf32>
    %eq3A_176 = vector.broadcast %broadcast_in_dim3A_175 : vector<4096x1xf32> to vector<4096x512xf32>
    %eq3A_177 = arith.cmpf oeq, %dot_general3A_172, %eq3A_176 : vector<4096x512xf32>
    %jit3A_178 = arith.constant 3.000000e+38 : f32
    %broadcast_in_dim3A_179 = vector.broadcast %jit3A_178 : f32 to vector<4096x512xf32>
    %select_n3A_180 = arith.select %eq3A_177, %convert_element_type3A_20, %broadcast_in_dim3A_179 : vector<4096x512xi1>, vector<4096x512xf32>
    %reduce_min3A_181 = arith.constant dense<0x7F800000> : vector<4096xf32>
    %reduce_min3A_182 = vector.multi_reduction <minimumf>, %select_n3A_180, %reduce_min3A_181 [1] : vector<4096x512xf32> to vector<4096xf32>
    %broadcast_in_dim3A_183 = vector.shape_cast %reduce_min3A_182 : vector<4096xf32> to vector<4096x1xf32>
    %convert_element_type3A_184 = arith.fptosi %broadcast_in_dim3A_183 : vector<4096x1xf32> to vector<4096x1xi32>
    %mul3A_185 = arith.constant 4096 : i32
    %mul3A_186 = arith.muli %arg1, %mul3A_185 : i32
    %add3A_187 = arith.constant 2048 : i32
    %add3A_188 = arith.addi %mul3A_186, %add3A_187 : i32
    %add3A_189 = vector.broadcast %add3A_188 : i32 to vector<4096x1xi32>
    %add3A_190 = arith.addi %convert_element_type3A_184, %add3A_189 : vector<4096x1xi32>
    %get3A_191 = arith.constant 0 : index
    %get3A_192 = arith.constant 0 : index
    %get3A_193 = vector.load %arg9[%get3A_191, %get3A_192] : memref<4096x1xf32, #tpu.memory_space<vmem>>, vector<4096x1xf32>
    %gt3A_194 = arith.cmpf ogt, %broadcast_in_dim3A_175, %get3A_193 : vector<4096x1xf32>
    %get3A_195 = arith.constant 0 : index
    %get3A_196 = arith.constant 0 : index
    %get3A_197 = vector.load %arg10[%get3A_195, %get3A_196] : memref<4096x1xi32, #tpu.memory_space<vmem>>, vector<4096x1xi32>
    %select_n3A_198 = arith.select %gt3A_194, %add3A_190, %get3A_197 : vector<4096x1xi1>, vector<4096x1xi32>
    %swap3A_199 = arith.constant 0 : index
    %swap3A_200 = arith.constant 0 : index
    %swap3A_201 = vector.load %arg10[%swap3A_199, %swap3A_200] : memref<4096x1xi32, #tpu.memory_space<vmem>>, vector<4096x1xi32>
    tpu.vector_store %arg10[%swap3A_199, %swap3A_200], %select_n3A_198 {strides = array<i32>} : memref<4096x1xi32, #tpu.memory_space<vmem>>, vector<4096x1xi32>,
    %get3A_202 = arith.constant 0 : index
    %get3A_203 = arith.constant 0 : index
    %get3A_204 = vector.load %arg9[%get3A_202, %get3A_203] : memref<4096x1xf32, #tpu.memory_space<vmem>>, vector<4096x1xf32>
    %select_n3A_205 = arith.select %gt3A_194, %broadcast_in_dim3A_175, %get3A_204 : vector<4096x1xi1>, vector<4096x1xf32>
    %swap3A_206 = arith.constant 0 : index
    %swap3A_207 = arith.constant 0 : index
    %swap3A_208 = vector.load %arg9[%swap3A_206, %swap3A_207] : memref<4096x1xf32, #tpu.memory_space<vmem>>, vector<4096x1xf32>
    tpu.vector_store %arg9[%swap3A_206, %swap3A_207], %select_n3A_205 {strides = array<i32>} : memref<4096x1xf32, #tpu.memory_space<vmem>>, vector<4096x1xf32>,
    %slice3A_209 = vector.extract_strided_slice %div3A_14 {offsets = [2560, 0], sizes = [512, 256], strides = [1, 1]} : vector<4096x256xf32> to vector<512x256xf32>
    %dot_general3A_210 = arith.constant dense<0.000000e+00> : vector<4096x512xf32>
    %dot_general3A_211 = tpu.matmul %get3A_19, %slice3A_209, %dot_general3A_210 {dimension_numbers = #tpu.dot_dimension_numbers<[1], [1], [0], [0], [0, 0, 1, 0], [], []>, transpose_lhs_hint = false} : vector<4096x256xf32>, vector<512x256xf32>, vector<4096x512xf32> -> vector<4096x512xf32>
    %reduce_max3A_212 = arith.constant dense<0xFF800000> : vector<4096xf32>
    %reduce_max3A_213 = vector.multi_reduction <maximumf>, %dot_general3A_211, %reduce_max3A_212 [1] : vector<4096x512xf32> to vector<4096xf32>
    %broadcast_in_dim3A_214 = vector.shape_cast %reduce_max3A_213 : vector<4096xf32> to vector<4096x1xf32>
    %eq3A_215 = vector.broadcast %broadcast_in_dim3A_214 : vector<4096x1xf32> to vector<4096x512xf32>
    %eq3A_216 = arith.cmpf oeq, %dot_general3A_211, %eq3A_215 : vector<4096x512xf32>
    %jit3A_217 = arith.constant 3.000000e+38 : f32
    %broadcast_in_dim3A_218 = vector.broadcast %jit3A_217 : f32 to vector<4096x512xf32>
    %select_n3A_219 = arith.select %eq3A_216, %convert_element_type3A_20, %broadcast_in_dim3A_218 : vector<4096x512xi1>, vector<4096x512xf32>
    %reduce_min3A_220 = arith.constant dense<0x7F800000> : vector<4096xf32>
    %reduce_min3A_221 = vector.multi_reduction <minimumf>, %select_n3A_219, %reduce_min3A_220 [1] : vector<4096x512xf32> to vector<4096xf32>
    %broadcast_in_dim3A_222 = vector.shape_cast %reduce_min3A_221 : vector<4096xf32> to vector<4096x1xf32>
    %convert_element_type3A_223 = arith.fptosi %broadcast_in_dim3A_222 : vector<4096x1xf32> to vector<4096x1xi32>
    %mul3A_224 = arith.constant 4096 : i32
    %mul3A_225 = arith.muli %arg1, %mul3A_224 : i32
    %add3A_226 = arith.constant 2560 : i32
    %add3A_227 = arith.addi %mul3A_225, %add3A_226 : i32
    %add3A_228 = vector.broadcast %add3A_227 : i32 to vector<4096x1xi32>
    %add3A_229 = arith.addi %convert_element_type3A_223, %add3A_228 : vector<4096x1xi32>
    %get3A_230 = arith.constant 0 : index
    %get3A_231 = arith.constant 0 : index
    %get3A_232 = vector.load %arg9[%get3A_230, %get3A_231] : memref<4096x1xf32, #tpu.memory_space<vmem>>, vector<4096x1xf32>
    %gt3A_233 = arith.cmpf ogt, %broadcast_in_dim3A_214, %get3A_232 : vector<4096x1xf32>
    %get3A_234 = arith.constant 0 : index
    %get3A_235 = arith.constant 0 : index
    %get3A_236 = vector.load %arg10[%get3A_234, %get3A_235] : memref<4096x1xi32, #tpu.memory_space<vmem>>, vector<4096x1xi32>
    %select_n3A_237 = arith.select %gt3A_233, %add3A_229, %get3A_236 : vector<4096x1xi1>, vector<4096x1xi32>
    %swap3A_238 = arith.constant 0 : index
    %swap3A_239 = arith.constant 0 : index
    %swap3A_240 = vector.load %arg10[%swap3A_238, %swap3A_239] : memref<4096x1xi32, #tpu.memory_space<vmem>>, vector<4096x1xi32>
    tpu.vector_store %arg10[%swap3A_238, %swap3A_239], %select_n3A_237 {strides = array<i32>} : memref<4096x1xi32, #tpu.memory_space<vmem>>, vector<4096x1xi32>,
    %get3A_241 = arith.constant 0 : index
    %get3A_242 = arith.constant 0 : index
    %get3A_243 = vector.load %arg9[%get3A_241, %get3A_242] : memref<4096x1xf32, #tpu.memory_space<vmem>>, vector<4096x1xf32>
    %select_n3A_244 = arith.select %gt3A_233, %broadcast_in_dim3A_214, %get3A_243 : vector<4096x1xi1>, vector<4096x1xf32>
    %swap3A_245 = arith.constant 0 : index
    %swap3A_246 = arith.constant 0 : index
    %swap3A_247 = vector.load %arg9[%swap3A_245, %swap3A_246] : memref<4096x1xf32, #tpu.memory_space<vmem>>, vector<4096x1xf32>
    tpu.vector_store %arg9[%swap3A_245, %swap3A_246], %select_n3A_244 {strides = array<i32>} : memref<4096x1xf32, #tpu.memory_space<vmem>>, vector<4096x1xf32>,
    %slice3A_248 = vector.extract_strided_slice %div3A_14 {offsets = [3072, 0], sizes = [512, 256], strides = [1, 1]} : vector<4096x256xf32> to vector<512x256xf32>
    %dot_general3A_249 = arith.constant dense<0.000000e+00> : vector<4096x512xf32>
    %dot_general3A_250 = tpu.matmul %get3A_19, %slice3A_248, %dot_general3A_249 {dimension_numbers = #tpu.dot_dimension_numbers<[1], [1], [0], [0], [0, 0, 1, 0], [], []>, transpose_lhs_hint = false} : vector<4096x256xf32>, vector<512x256xf32>, vector<4096x512xf32> -> vector<4096x512xf32>
    %reduce_max3A_251 = arith.constant dense<0xFF800000> : vector<4096xf32>
    %reduce_max3A_252 = vector.multi_reduction <maximumf>, %dot_general3A_250, %reduce_max3A_251 [1] : vector<4096x512xf32> to vector<4096xf32>
    %broadcast_in_dim3A_253 = vector.shape_cast %reduce_max3A_252 : vector<4096xf32> to vector<4096x1xf32>
    %eq3A_254 = vector.broadcast %broadcast_in_dim3A_253 : vector<4096x1xf32> to vector<4096x512xf32>
    %eq3A_255 = arith.cmpf oeq, %dot_general3A_250, %eq3A_254 : vector<4096x512xf32>
    %jit3A_256 = arith.constant 3.000000e+38 : f32
    %broadcast_in_dim3A_257 = vector.broadcast %jit3A_256 : f32 to vector<4096x512xf32>
    %select_n3A_258 = arith.select %eq3A_255, %convert_element_type3A_20, %broadcast_in_dim3A_257 : vector<4096x512xi1>, vector<4096x512xf32>
    %reduce_min3A_259 = arith.constant dense<0x7F800000> : vector<4096xf32>
    %reduce_min3A_260 = vector.multi_reduction <minimumf>, %select_n3A_258, %reduce_min3A_259 [1] : vector<4096x512xf32> to vector<4096xf32>
    %broadcast_in_dim3A_261 = vector.shape_cast %reduce_min3A_260 : vector<4096xf32> to vector<4096x1xf32>
    %convert_element_type3A_262 = arith.fptosi %broadcast_in_dim3A_261 : vector<4096x1xf32> to vector<4096x1xi32>
    %mul3A_263 = arith.constant 4096 : i32
    %mul3A_264 = arith.muli %arg1, %mul3A_263 : i32
    %add3A_265 = arith.constant 3072 : i32
    %add3A_266 = arith.addi %mul3A_264, %add3A_265 : i32
    %add3A_267 = vector.broadcast %add3A_266 : i32 to vector<4096x1xi32>
    %add3A_268 = arith.addi %convert_element_type3A_262, %add3A_267 : vector<4096x1xi32>
    %get3A_269 = arith.constant 0 : index
    %get3A_270 = arith.constant 0 : index
    %get3A_271 = vector.load %arg9[%get3A_269, %get3A_270] : memref<4096x1xf32, #tpu.memory_space<vmem>>, vector<4096x1xf32>
    %gt3A_272 = arith.cmpf ogt, %broadcast_in_dim3A_253, %get3A_271 : vector<4096x1xf32>
    %get3A_273 = arith.constant 0 : index
    %get3A_274 = arith.constant 0 : index
    %get3A_275 = vector.load %arg10[%get3A_273, %get3A_274] : memref<4096x1xi32, #tpu.memory_space<vmem>>, vector<4096x1xi32>
    %select_n3A_276 = arith.select %gt3A_272, %add3A_268, %get3A_275 : vector<4096x1xi1>, vector<4096x1xi32>
    %swap3A_277 = arith.constant 0 : index
    %swap3A_278 = arith.constant 0 : index
    %swap3A_279 = vector.load %arg10[%swap3A_277, %swap3A_278] : memref<4096x1xi32, #tpu.memory_space<vmem>>, vector<4096x1xi32>
    tpu.vector_store %arg10[%swap3A_277, %swap3A_278], %select_n3A_276 {strides = array<i32>} : memref<4096x1xi32, #tpu.memory_space<vmem>>, vector<4096x1xi32>,
    %get3A_280 = arith.constant 0 : index
    %get3A_281 = arith.constant 0 : index
    %get3A_282 = vector.load %arg9[%get3A_280, %get3A_281] : memref<4096x1xf32, #tpu.memory_space<vmem>>, vector<4096x1xf32>
    %select_n3A_283 = arith.select %gt3A_272, %broadcast_in_dim3A_253, %get3A_282 : vector<4096x1xi1>, vector<4096x1xf32>
    %swap3A_284 = arith.constant 0 : index
    %swap3A_285 = arith.constant 0 : index
    %swap3A_286 = vector.load %arg9[%swap3A_284, %swap3A_285] : memref<4096x1xf32, #tpu.memory_space<vmem>>, vector<4096x1xf32>
    tpu.vector_store %arg9[%swap3A_284, %swap3A_285], %select_n3A_283 {strides = array<i32>} : memref<4096x1xf32, #tpu.memory_space<vmem>>, vector<4096x1xf32>,
    %slice3A_287 = vector.extract_strided_slice %div3A_14 {offsets = [3584, 0], sizes = [512, 256], strides = [1, 1]} : vector<4096x256xf32> to vector<512x256xf32>
    %dot_general3A_288 = arith.constant dense<0.000000e+00> : vector<4096x512xf32>
    %dot_general3A_289 = tpu.matmul %get3A_19, %slice3A_287, %dot_general3A_288 {dimension_numbers = #tpu.dot_dimension_numbers<[1], [1], [0], [0], [0, 0, 1, 0], [], []>, transpose_lhs_hint = false} : vector<4096x256xf32>, vector<512x256xf32>, vector<4096x512xf32> -> vector<4096x512xf32>
    %reduce_max3A_290 = arith.constant dense<0xFF800000> : vector<4096xf32>
    %reduce_max3A_291 = vector.multi_reduction <maximumf>, %dot_general3A_289, %reduce_max3A_290 [1] : vector<4096x512xf32> to vector<4096xf32>
    %broadcast_in_dim3A_292 = vector.shape_cast %reduce_max3A_291 : vector<4096xf32> to vector<4096x1xf32>
    %eq3A_293 = vector.broadcast %broadcast_in_dim3A_292 : vector<4096x1xf32> to vector<4096x512xf32>
    %eq3A_294 = arith.cmpf oeq, %dot_general3A_289, %eq3A_293 : vector<4096x512xf32>
    %jit3A_295 = arith.constant 3.000000e+38 : f32
    %broadcast_in_dim3A_296 = vector.broadcast %jit3A_295 : f32 to vector<4096x512xf32>
    %select_n3A_297 = arith.select %eq3A_294, %convert_element_type3A_20, %broadcast_in_dim3A_296 : vector<4096x512xi1>, vector<4096x512xf32>
    %reduce_min3A_298 = arith.constant dense<0x7F800000> : vector<4096xf32>
    %reduce_min3A_299 = vector.multi_reduction <minimumf>, %select_n3A_297, %reduce_min3A_298 [1] : vector<4096x512xf32> to vector<4096xf32>
    %broadcast_in_dim3A_300 = vector.shape_cast %reduce_min3A_299 : vector<4096xf32> to vector<4096x1xf32>
    %convert_element_type3A_301 = arith.fptosi %broadcast_in_dim3A_300 : vector<4096x1xf32> to vector<4096x1xi32>
    %mul3A_302 = arith.constant 4096 : i32
    %mul3A_303 = arith.muli %arg1, %mul3A_302 : i32
    %add3A_304 = arith.constant 3584 : i32
    %add3A_305 = arith.addi %mul3A_303, %add3A_304 : i32
    %add3A_306 = vector.broadcast %add3A_305 : i32 to vector<4096x1xi32>
    %add3A_307 = arith.addi %convert_element_type3A_301, %add3A_306 : vector<4096x1xi32>
    %get3A_308 = arith.constant 0 : index
    %get3A_309 = arith.constant 0 : index
    %get3A_310 = vector.load %arg9[%get3A_308, %get3A_309] : memref<4096x1xf32, #tpu.memory_space<vmem>>, vector<4096x1xf32>
    %gt3A_311 = arith.cmpf ogt, %broadcast_in_dim3A_292, %get3A_310 : vector<4096x1xf32>
    %get3A_312 = arith.constant 0 : index
    %get3A_313 = arith.constant 0 : index
    %get3A_314 = vector.load %arg10[%get3A_312, %get3A_313] : memref<4096x1xi32, #tpu.memory_space<vmem>>, vector<4096x1xi32>
    %select_n3A_315 = arith.select %gt3A_311, %add3A_307, %get3A_314 : vector<4096x1xi1>, vector<4096x1xi32>
    %swap3A_316 = arith.constant 0 : index
    %swap3A_317 = arith.constant 0 : index
    %swap3A_318 = vector.load %arg10[%swap3A_316, %swap3A_317] : memref<4096x1xi32, #tpu.memory_space<vmem>>, vector<4096x1xi32>
    tpu.vector_store %arg10[%swap3A_316, %swap3A_317], %select_n3A_315 {strides = array<i32>} : memref<4096x1xi32, #tpu.memory_space<vmem>>, vector<4096x1xi32>,
    %get3A_319 = arith.constant 0 : index
    %get3A_320 = arith.constant 0 : index
    %get3A_321 = vector.load %arg9[%get3A_319, %get3A_320] : memref<4096x1xf32, #tpu.memory_space<vmem>>, vector<4096x1xf32>
    %select_n3A_322 = arith.select %gt3A_311, %broadcast_in_dim3A_292, %get3A_321 : vector<4096x1xi1>, vector<4096x1xf32>
    %swap3A_323 = arith.constant 0 : index
    %swap3A_324 = arith.constant 0 : index
    %swap3A_325 = vector.load %arg9[%swap3A_323, %swap3A_324] : memref<4096x1xf32, #tpu.memory_space<vmem>>, vector<4096x1xf32>
    tpu.vector_store %arg9[%swap3A_323, %swap3A_324], %select_n3A_322 {strides = array<i32>} : memref<4096x1xf32, #tpu.memory_space<vmem>>, vector<4096x1xf32>,
    %eq3A_326 = arith.constant 1 : i32
    %eq3A_327 = arith.cmpi eq, %arg1, %eq3A_326 : i32
    %convert_element_type3A_328 = arith.extui %eq3A_327 : i1 to i32
    %cond3A_329 = arith.constant 0 : i32
    %cond3A_330 = arith.cmpi ne, %convert_element_type3A_328, %cond3A_329 : i32
    scf.if %cond3A_330 {
      %get3A_339 = arith.constant 0 : index
      %get3A_340 = arith.constant 0 : index
      %get3A_341 = vector.load %arg10[%get3A_339, %get3A_340] : memref<4096x1xi32, #tpu.memory_space<vmem>>, vector<4096x1xi32>
      %reshape3A = vector.shape_cast %get3A_341 : vector<4096x1xi32> to vector<32x128xi32>
      %swap3A_342 = arith.constant 0 : index
      %swap3A_343 = arith.constant 0 : index
      %swap3A_344 = vector.load %arg4[%swap3A_342, %swap3A_343] : memref<32x128xi32, #tpu.memory_space<vmem>>, vector<32x128xi32>
      tpu.vector_store %arg4[%swap3A_342, %swap3A_343], %reshape3A {strides = array<i32>} : memref<32x128xi32, #tpu.memory_space<vmem>>, vector<32x128xi32>,
      %get3A_345 = arith.constant 0 : index
      %get3A_346 = arith.constant 0 : index
      %get3A_347 = vector.load %arg8[%get3A_345, %get3A_346] : memref<4096x1xf32, #tpu.memory_space<vmem>>, vector<4096x1xf32>
      %add3A_348 = arith.constant 1.000000e+00 : f32
      %add3A_349 = vector.broadcast %add3A_348 : f32 to vector<4096x1xf32>
      %add3A_350 = arith.addf %add3A_349, %get3A_347 : vector<4096x1xf32>
      %get3A_351 = arith.constant 0 : index
      %get3A_352 = arith.constant 0 : index
      %get3A_353 = vector.load %arg9[%get3A_351, %get3A_352] : memref<4096x1xf32, #tpu.memory_space<vmem>>, vector<4096x1xf32>
      %mul3A_354 = arith.constant 2.000000e+00 : f32
      %mul3A_355 = vector.broadcast %mul3A_354 : f32 to vector<4096x1xf32>
      %mul3A_356 = arith.mulf %mul3A_355, %get3A_353 : vector<4096x1xf32>
      %sqrt3A_357 = math.sqrt %get3A_347 : vector<4096x1xf32>
      %add3A_358 = arith.constant 9.99999996E-13 : f32
      %add3A_359 = vector.broadcast %add3A_358 : f32 to vector<4096x1xf32>
      %add3A_360 = arith.addf %sqrt3A_357, %add3A_359 : vector<4096x1xf32>
      %mul3A_361 = arith.mulf %mul3A_356, %add3A_360 : vector<4096x1xf32>
      %sub3A = arith.subf %add3A_350, %mul3A_361 : vector<4096x1xf32>
      %get3A_362 = arith.constant 0 : index
      %get3A_363 = arith.constant 0 : index
      %get3A_364 = vector.load %arg5[%get3A_362, %get3A_363] : memref<1x1xf32, #tpu.memory_space<vmem>>, vector<1x1xf32>
      %reduce_sum3A_365 = vector.shape_cast %sub3A : vector<4096x1xf32> to vector<1x4096x1xf32>
      %reduce_sum3A_366 = arith.constant dense<0.000000e+00> : vector<1xf32>
      %reduce_sum3A_367 = vector.multi_reduction <add>, %reduce_sum3A_365, %reduce_sum3A_366 [1, 2] : vector<1x4096x1xf32> to vector<1xf32>
      %reduce_sum3A_368 = vector.shape_cast %reduce_sum3A_367 : vector<1xf32> to vector<1x1x1xf32>
      %reduce_sum3A_369 = vector.extract %reduce_sum3A_368[0, 0, 0] : f32 from vector<1x1x1xf32>
      %reshape3A_370 = vector.broadcast %reduce_sum3A_369 : f32 to vector<1x1xf32>
      %add3A_371 = arith.addf %get3A_364, %reshape3A_370 : vector<1x1xf32>
      %swap3A_372 = arith.constant 0 : index
      %swap3A_373 = arith.constant 0 : index
      %swap3A_374 = vector.load %arg5[%swap3A_372, %swap3A_373] : memref<1x1xf32, #tpu.memory_space<vmem>>, vector<1x1xf32>
      tpu.vector_store %arg5[%swap3A_372, %swap3A_373], %add3A_371 {strides = array<i32>} : memref<1x1xf32, #tpu.memory_space<vmem>>, vector<1x1xf32>,
    } else {
    }
    %eq3A_331 = arith.constant 0 : i32
    %eq3A_332 = arith.cmpi eq, %arg0, %eq3A_331 : i32
    %eq3A_333 = arith.constant 1 : i32
    %eq3A_334 = arith.cmpi eq, %arg1, %eq3A_333 : i32
    %and3A_335 = arith.andi %eq3A_332, %eq3A_334 : i1
    %convert_element_type3A_336 = arith.extui %and3A_335 : i1 to i32
    %cond3A_337 = arith.constant 0 : i32
    %cond3A_338 = arith.cmpi ne, %convert_element_type3A_336, %cond3A_337 : i32
    scf.if %cond3A_338 {
      %get3A_339 = arith.constant 0 : index
      %get3A_340 = arith.constant 0 : index
      %get3A_341 = vector.load %arg5[%get3A_339, %get3A_340] : memref<1x1xf32, #tpu.memory_space<vmem>>, vector<1x1xf32>
      %mul3A_342 = arith.constant 1.1920929E-6 : f32
      %mul3A_343 = vector.broadcast %mul3A_342 : f32 to vector<1x1xf32>
      %mul3A_344 = arith.mulf %get3A_341, %mul3A_343 : vector<1x1xf32>
      %swap3A_345 = arith.constant 0 : index
      %swap3A_346 = arith.constant 0 : index
      %swap3A_347 = vector.load %arg5[%swap3A_345, %swap3A_346] : memref<1x1xf32, #tpu.memory_space<vmem>>, vector<1x1xf32>
      tpu.vector_store %arg5[%swap3A_345, %swap3A_346], %mul3A_344 {strides = array<i32>} : memref<1x1xf32, #tpu.memory_space<vmem>>, vector<1x1xf32>,
    } else {
    }
    return
  }
  func.func @transform_0(%arg0: i32, %arg1: i32) -> (i32, i32) {
    %c0_i32 = arith.constant 0 : i32
    %c0_i32_0 = arith.constant 0 : i32
    return %arg0, %c0_i32 : i32, i32
  }
  func.func @transform_1(%arg0: i32, %arg1: i32) -> (i32, i32) {
    %c0_i32 = arith.constant 0 : i32
    %c0_i32_0 = arith.constant 0 : i32
    return %arg1, %c0_i32 : i32, i32
  }
  func.func @transform_2(%arg0: i32, %arg1: i32) -> (i32, i32) {
    %c0_i32 = arith.constant 0 : i32
    %c0_i32_0 = arith.constant 0 : i32
    return %arg0, %c0_i32 : i32, i32
  }
  func.func @transform_3(%arg0: i32, %arg1: i32) -> (i32, i32) {
    %c0_i32 = arith.constant 0 : i32
    %c0_i32_0 = arith.constant 0 : i32
    %c0_i32_1 = arith.constant 0 : i32
    return %c0_i32, %c0_i32_0 : i32, i32
  }
  func.func @transform_4(%arg0: i32, %arg1: i32) -> (i32, i32) {
    %c0_i32 = arith.constant 0 : i32
    %c0_i32_0 = arith.constant 0 : i32
    return %arg1, %c0_i32 : i32, i32
  }
}

</mosaic_0001>

<sc_bundles>
// kernel: kernel.4.cloned.1.call-start
scs
__scs_entry_jumppad:
0x0: {  	(pc) =	sbr.rel $0x88, $3  }
0x1: {  	(tag) =	ssettag $0x0;
	lr =	simm.s32 $0x1  }
0x2: {  	[smem:$0x3F9F] =	sst lr;
	_ =	strace $0xD0000000  }
0x3: {  	_ = 	snop  }
0x4: {  	_ = 	snop  }
0x5: {  	_ = 	snop  }
0x6: {  	_ = 	snop  }
0x7: {  	_ = 	snop  }
__scs_overlays_trampoline_lowered:
0x8: {  	[smem:$0x3FAE] =	sst s0  }
0x9: {  	[smem:$0x3FAF] =	sst s1  }
0xa: {  	[smem:$0x3FB0] =	sst s2  }
0xb: {  	[smem:$0x3FB1] =	sst s3  }
0xc: {  	[smem:$0x3FB2] =	sst s4  }
0xd: {  	[smem:$0x3FB3] =	sst s5  }
0xe: {  	[smem:$0x3FB4] =	sst s6  }
0xf: {  	[smem:$0x3FB5] =	sst s7  }
0x10: {  	[smem:$0x3FB6] =	sst s8  }
0x11: {  	[smem:$0x3FB7] =	sst s9;
	s0 =	simm.s32 @!p0 $0x0  }
0x12: {  	s1 =	sld [smem:$0x3F9D];
	s0 =	simm.s32 @p0 $0x1  }
0x13: {  	[smem:$0x3FB8] =	sst s0;
	s0 =	simm.s32 @!p1 $0x0  }
0x14: {  	s2 =	sld [smem:$0x3F9C];
	s0 =	simm.s32 @p1 $0x1  }
0x15: {  	[smem:$0x3FB9] =	sst s0;
	s0 =	simm.s32 @!p2 $0x0  }
0x16: {  	s3 =	sld [smem:$0x3FDB];
	s0 =	simm.s32 @p2 $0x1  }
0x17: {  	s4 =	simm.s32 $0x1BF5;
	[smem:$0x3FBB] =	sst s0  }
0x18: {  	s0 =	sld [smem:$0x3F9E];
	_ =	swait.ge [sflag:s4], $0x0  }
0x19: {  	s7 =	sld [smem:$0x3F9F]  }
0x1a: {  	s8 =	sadd.s32 $0xFFFFE003, lr  }
0x1b: {  	s9 =	sadd.s32 $0xFFFFFEF7, lr;
	s5 =	simm.s32 $0xFFFFFFFF;
	p2 =	slt.u32 s8, $0xFFFFF086  }
0x1c: {  	p1 =	slt.u32 s9, $0xF7A;
	s5 =	simm.s32 @!p2 $0x0  }
0x1d: {  	s5 =	simm.s32 @p1 $0x1;
	p0 =	seq.s32 s7, s2  }
0x1e: {  	s7 =	smul.u32 @!p0 $0xF7A, s2;
	p2 =	seq.s32 @!p0 s5, $0x0  }
0x1f: {  	s9 =	smul.u32 $0xF7A, s1;
	s8 =	simm.s32 @!p0 $0x1BF5;
	p2 =	por !p2, p0  }
0x20: {  	[sflag:s8] =	ssyncset.s32 @!p0 $0xFFFFF086;
	s6 =	sadd.s32 @!p0 s3, s7;
	s7 =	simm.s32 @!p0 $0x108  }
0x21: {  	s3 =	sadd.s32 s3, s9;
	s6 =	sadd.s32 @!p0 $0x88, s6;
	s7 =	simm.s32 @p2 $0x1082  }
0x22: {  	[simem:s7], [sflag:s8] =	dma.local @!p0 [hbm:s6], $0xF7A  }
0x23: {  	s9 =	sor.u32 $0xD0000000, s2;
	s6 =	simm.s32 $0x108;
	_ =	swait.ge @!p0 [sflag:s8], $0x0  }
0x24: {  	s3 =	sadd.s32 $0x88, s3;
	s6 =	simm.s32 @!p1 $0x1082;
	[sflag:s4] =	ssyncset.s32 $0xFFFFF086  }
0x25: {  	[simem:s6], [sflag:s4] =	dma.local [hbm:s3], $0xF7A  }
0x26: {  	[smem:$0x3F9F] =	sst s1;
	(tag) =	ssettag s2;
	_ =	strace s9  }
0x27: {  	s1 =	sld [smem:$0x3FAF]  }
0x28: {  	s2 =	sld [smem:$0x3FB0]  }
0x29: {  	s4 =	sld [smem:$0x3FB2]  }
0x2a: {  	p0 =	seq.s32 s5, $0x0;
	s5 =	sld [smem:$0x3FB3]  }
0x2b: {  	s6 =	sld [smem:$0x3FB4]  }
0x2c: {  	s7 =	sld [smem:$0x3FB5]  }
0x2d: {  	s3 =	simm.s32 $0x108;
	s8 =	sld [smem:$0x3FB6]  }
0x2e: {  	s3 =	simm.s32 @!p0 $0x1082;
	s9 =	sld [smem:$0x3FB7]  }
0x2f: {  	lr =	sadd.s32 s0, s3;
	s0 =	sld [smem:$0x3FAE]  }
0x30: {  	s3 =	sld [smem:$0x3FB1]  }
0x31: {  	[smem:$0x3FBA] =	sst s10  }
0x32: {  	s10 =	sld [smem:$0x3FB8];
	_ =	sdelay $0x3  }
0x33: {  	p0 =	seq.s32 s10, $0x1;
	s10 =	sld [smem:$0x3FBA];
	_ =	sdelay $0x3  }
0x34: {  	[smem:$0x3FBA] =	sst s10  }
0x35: {  	s10 =	sld [smem:$0x3FB9];
	_ =	sdelay $0x3  }
0x36: {  	p1 =	seq.s32 s10, $0x1;
	s10 =	sld [smem:$0x3FBA];
	_ =	sdelay $0x3  }
0x37: {  	[smem:$0x3FBA] =	sst s10  }
0x38: {  	s10 =	sld [smem:$0x3FBB]  }
0x39: {  	_ = 	snop;
	(pc) =	sbr.ind lr, $3  }
0x3a: {  	_ = 	snop  }
0x3b: {  	_ = 	snop  }
0x3c: {  	p2 =	seq.s32 s10, $0x1;
	s10 =	sld [smem:$0x3FBA]  }
0x3d: {  	_ =	shalt  }
0x3e: {  	_ =	shalt  }
0x3f: {  	_ =	shalt  }
0x40: {  	_ =	shalt  }
0x41: {  	_ =	shalt  }
0x42: {  	_ =	shalt  }
0x43: {  	_ =	shalt  }
0x44: {  	_ =	shalt  }
0x45: {  	_ =	shalt  }
0x46: {  	_ =	shalt  }
0x47: {  	_ =	shalt  }
0x48: {  	_ =	shalt  }
0x49: {  	_ =	shalt  }
0x4a: {  	_ =	shalt  }
0x4b: {  	_ =	shalt  }
0x4c: {  	_ =	shalt  }
0x4d: {  	_ =	shalt  }
0x4e: {  	_ =	shalt  }
0x4f: {  	_ =	shalt  }
0x50: {  	_ =	shalt  }
0x51: {  	_ =	shalt  }
0x52: {  	_ =	shalt  }
0x53: {  	_ =	shalt  }
0x54: {  	_ =	shalt  }
0x55: {  	_ =	shalt  }
0x56: {  	_ =	shalt  }
0x57: {  	_ =	shalt  }
0x58: {  	_ =	shalt  }
0x59: {  	_ =	shalt  }
0x5a: {  	_ =	shalt  }
0x5b: {  	_ =	shalt  }
0x5c: {  	_ =	shalt  }
0x5d: {  	_ =	shalt  }
0x5e: {  	_ =	shalt  }
0x5f: {  	_ =	shalt  }
0x60: {  	_ =	shalt  }
0x61: {  	_ =	shalt  }
0x62: {  	_ =	shalt  }
0x63: {  	_ =	shalt  }
0x64: {  	_ =	shalt  }
0x65: {  	_ =	shalt  }
0x66: {  	_ =	shalt  }
0x67: {  	_ =	shalt  }
0x68: {  	_ =	shalt  }
0x69: {  	_ =	shalt  }
0x6a: {  	_ =	shalt  }
0x6b: {  	_ =	shalt  }
0x6c: {  	_ =	shalt  }
0x6d: {  	_ =	shalt  }
0x6e: {  	_ =	shalt  }
0x6f: {  	_ =	shalt  }
0x70: {  	_ =	shalt  }
0x71: {  	_ =	shalt  }
0x72: {  	_ =	shalt  }
0x73: {  	_ =	shalt  }
0x74: {  	_ =	shalt  }
0x75: {  	_ =	shalt  }
0x76: {  	_ =	shalt  }
0x77: {  	_ =	shalt  }
0x78: {  	_ =	shalt  }
0x79: {  	_ =	shalt  }
0x7a: {  	_ =	shalt  }
0x7b: {  	_ =	shalt  }
0x7c: {  	_ =	shalt  }
0x7d: {  	_ =	shalt  }
0x7e: {  	_ =	shalt  }
0x7f: {  	_ =	shalt  }
0x80: {  	_ =	shalt  }
0x81: {  	_ =	shalt  }
0x82: {  	_ =	shalt  }
0x83: {  	_ =	shalt  }
0x84: {  	_ =	shalt  }
0x85: {  	_ =	shalt  }
0x86: {  	_ =	shalt  }
0x87: {  	_ =	shalt  }
.Lfunc_end0:
.L_simem_size_0:
called_computation_lowered:
.L_overlay_start_0:
0x88: {  	s2 =	sld [smem:$0x3FD9]  }
0x89: {  	s3 =	sld [smem:$0x3FFE];
	_ =	sdelay $0x1  }
0x8a: {  	s1 =	srdreg.scid  }
0x8b: {  	s0 =	sand.u32 $0x1, s1  }
0x8c: {  	s14 =	sshll.u32 s0, $0xA;
	s2 =	sadd.s32 s3, s2  }
0x8d: {  	s2 =	sadd.s32 s2, s14  }
0x8e: {  	[smem:$0x3FC6] =	sst s2  }
0x8f: {  	_ = 	snop  }
0x90: {  	s2 =	sld [smem:$0x3FD0];
	_ =	sdelay $0x2  }
0x91: {  	s15 =	simm.s32 $0xA;
	s4 =	simm.s32 $0x10  }
0x92: {  	[smem:s4], [sflag:s15] =	dma.local [hbm:s2], $0x1  }
0x93: {  	_ =	swait.eq [sflag:s15], $0x1  }
0x94: {  	[sflag:s15] =	ssyncset.done $0x0  }
0x95: {  	[sflag:s15] =	ssyncadd.s32 $0xFFFFFFFF  }
0x96: {  	s16 =	sld [smem:$0x10];
	(tm) =	ssettm $0x1  }
0x97: {  	s17 =	sld [smem:$0x3FFB];
	_ =	sdelay $0x3  }
0x98: {  	_ =	strace s17  }
0x99: {  	s3 =	sld [smem:$0x3FFC];
	_ =	sdelay $0x3  }
0x9a: {  	_ =	strace s3  }
0x9b: {  	s3 =	sld [smem:$0x3FFD];
	_ =	sdelay $0x3  }
0x9c: {  	_ =	strace s3  }
0x9d: {  	_ =	strace $0x8FFFFFFF  }
0x9e: {  	s18 =	sld [smem:$0x3FDB];
	_ =	sdelay $0x1  }
0x9f: {  	s19 =	simm.s32 $_scs_section_size  }
0xa0: {  	s5 =	simm.s32 $_size__tile_overlayer_lowered;
	s6 =	simm.s32 $_tile_overlayer_lowered  }
0xa1: {  	s22 =	simm.s32 $0x1BFF;
	s21 =	sshll.u32 s6, $0x1;
	s3 =	sadd.s32 s19, s18  }
0xa2: {  	s7 =	simm.s32 $0x0;
	s20 =	sshll.u32 s5, $0x1;
	s5 =	sadd.s32 s21, s3  }
0xa3: {  	[timem:s7], [sflag:s22] =	dma.local [hbm:s5], s20  }
0xa4: {  	_ =	swait.ge [sflag:s22], s20  }
0xa5: {  	s4 =	ssub.s32 $0x0, s20;
	[sflag:s22] =	ssyncset.done $0x0  }
0xa6: {  	[sflag:s22] =	ssyncadd.s32 s4;
	_ =	sdelay $0x1  }
0xa7: {  	s23 =	simm.s32 $0x1B8B  }
0xa8: {  	_ =	swait.ge [sflag:s23], $0x1  }
0xa9: {  	[sflag:s23] =	ssyncset.done $0x0  }
0xaa: {  	s25 =	simm.s32 $0x1B8E;
	s24 =	sld [smem:$0x3FFE];
	[sflag:s23] =	ssyncadd.s32 $0xFFFFFFFF  }
0xab: {  	s26 =	simm.s32 $execute0_lowered;
	[smem:$0x3FD2] =	sst s25  }
0xac: {  	s5 =	sshll.u32 s26, $0x1;
	_ =	strace $0x80000046;
	[dreg:$0x1] =	wrdreg $0xFFFFFFFF  }
0xad: {  	s28 =	simm.s32 $_size_execute0_lowered;
	s3 =	sadd.s32 s3, s5;
	[dreg:$0x0] =	wrdreg $0x0  }
0xae: {  	s5 =	sshll.u32 s28, $0x1;
	[dreg:$0x2] =	wrdreg s3  }
0xaf: {  	[dreg:$0x3] =	wrdreg s5  }
0xb0: {  	[dreg:$0x4] =	wrdreg $0xC0  }
0xb1: {  	_ =	task [dreg:s7], $0x5FFFF  }
0xb2: {  	[dreg:$0x1] =	wrdreg $0xFFFFFFFF  }
0xb3: {  	[dreg:$0x0] =	wrdreg $0x60  }
0xb4: {  	[dreg:$0x2] =	wrdreg s24  }
0xb5: {  	[dreg:$0x3] =	wrdreg s16  }
0xb6: {  	[dreg:$0x4] =	wrdreg $0x9  }
0xb7: {  	_ =	task.clear_ibuf [dreg:s7], $0x5FFFF;
	_ =	strace $0x90000046  }
0xb8: {  	s29 =	simm.s32 $0x9;
	_ =	strace $0x80000048  }
0xb9: {  	_ =	swait.ge [sflag:s29], $0x1  }
0xba: {  	[sflag:s29] =	ssyncadd.s32 $0xFFFFFFFF  }
0xbb: {  	_ =	strace $0x90000048  }
0xbc: {  	_ =	sfence  }
0xbd: {  	s30 =	sld [smem:$0x0];
	_ =	sdelay $0x2  }
0xbe: {  	s31 =	sshll.u32 s1, $0xD;
	s1 =	sshrl.u32 s1, $0x2  }
0xbf: {  	s3 =	sand.u32 $0x4000, s31;
	s1 =	sadd.s32 s1, s30  }
0xc0: {  	s0 =	sor.u32 s3, s0;
	s1 =	sshll.u32 s1, $0x11  }
0xc1: {  	s0 =	sor.u32 s1, s0  }
0xc2: {  	s0 =	sadd.s32 $0x8F2B, s0  }
0xc3: {  	[sflag:s0] =	ssyncadd.remote.s32 $0x1  }
0xc4: {  	_ =	sfence.sel $0xFFFF  }
0xc5: {  	[dreg:$0x0] =	wrdreg $0xFFFFFFFF;
	(pc) =	sbr.abs _section_cstart, $3  }
0xc6: {  	[dreg:$0x1] =	wrdreg $0xFFFFFFFF  }
0xc7: {  	_ =	task.clear_ibuf [dreg:s7], $0x2FFFF;
	_ =	strace $0x9FFFFFFF  }
0xc8: {  	(tm) =	ssettm $0x7FFFFFFF  }
0xc9: {  	_ =	shalt  }
tec
execute0_lowered:
.L_overlay_start_1:
0x0: {  	(tag) =	ssettag $0x1  }
0x1: {  	s0 =	rddreg [dreg:$0x0]  }
0x2: {  	s4 =	rddreg [dreg:$0x1]  }
0x3: {  	s2 =	srdreg.scid;
	s1 =	stileid.u32  }
0x4: {  	s8 =	simm.s32 $0x80;
	s9 =	simm.s32 $0x880;
	s10 =	simm.s32 $0x1080  }
0x5: {  	s11 =	simm.s32 $0x1880;
	s12 =	simm.s32 $0x2080;
	s13 =	simm.s32 $0x2880  }
0x6: {  	s14 =	simm.s32 $0x3080;
	s15 =	simm.s32 $0x3880;
	s16 =	simm.s32 $0x4080  }
0x7: {  	s17 =	simm.s32 $0x4880;
	s18 =	simm.s32 $0x5080;
	s19 =	simm.s32 $0x5880  }
0x8: {  	s20 =	simm.s32 $0x6080;
	s21 =	simm.s32 $0x6880;
	s22 =	simm.s32 $0x7080  }
0x9: {  	s23 =	simm.s32 $0x7880;
	s28 =	simm.s32 $0x4;
	s29 =	simm.s32 $0x5  }
0xa: {  	s30 =	simm.s32 $0x6;
	s31 =	simm.s32 $0x7;
	s5 =	sand.u32 $0x1, s2  }
0xb: {  	s2 =	simm.s32 $0x0;
	s3 =	sshll.u32 s1, $0x8;
	s6 =	sshll.u32 s5, $0x7  }
0xc: {  	[smem:$0x7FF] =	sst s2;
	s5 =	ssub.s32 $0x2, s5;
	s3 =	sor.u32 s6, s3  }
0xd: {  	_ =	strace $0x80000047;
	s25 =	sshrl.u32 s5, $0x1;
	s6 =	sshll.u32 s3, $0x5  }
0xe: {  	s7 =	sshrl.u32 s3, $0x3;
	s3 =	sadd.s32 $0xC00, s0;
	s0 =	sadd.s32 s6, s0  }
0xf: {  	s4 =	sadd.s32 s4, s7;
	s6 =	ssub.s32 s5, s25;
	s7 =	simm.s32 $0x9  }
0x10: {  	s25 =	simm.s32 $0x2;
	[dreg:$0x3] =	wrdreg s4;
	s24 =	sadd.s32 $0x40C00, s0  }
0x11: {  	v2 =	vlaneseq.u32;
	s26 =	sadd.s32 $0x41000, s0;
	s4 =	sadd.s32 $0x41400, s0;
	s5 =	sadd.s32 $0x41800, s0  }
0x12: {  	vm0 =	vmmov $0xffff;
	v1 =	vshrl.u32 v2, $0x3;
	s6 =	smax.u32 s6, $0x1;
	s0 =	simm.s32 $0x8;
	[dreg:$0x4] =	wrdreg s24  }
0x13: {  	v0 =	vand.u32 $0x7, v2;
	v2 =	vor.u32 $0x8, v2;
	v1 =	vmul.u32 $0x8, v1;
	[dreg:$0x5] =	wrdreg s26;
	s24 =	simm.s32 $0x1;
	s26 =	simm.s32 $0x3  }
.LBB2_1:
0x14: {  	s1 =	rddreg [dreg:$0x3]  }
0x15: {  	[tilespmem:s2], [sflag:$0x9] =	stream.linear.gather [hbm4b:s1+s2], $0x80, $0x38;
	[tilespmem:$0x8080] =	vst v63  }
0x16: {  	_ =	swait.ge [sflag:s7], $0x80  }
0x17: {  	[sflag:s7] =	ssyncset.done $0x0  }
0x18: {  	[sflag:s7] =	ssyncadd.s32 $0xFFFFFF80  }
0x19: {  	v3 =	vld [tilespmem:$0x0];
	_ =	sdelay $0x4  }
0x1a: {  	v4 =	vshll.u32 v3, $0x1  }
0x1b: {  	v3 =	vand.u32 $0x7, v3;
	v4 =	vand.u32 $0xFFFFFFF0, v4  }
0x1c: {  	v3 =	vor.u32 v3, v4  }
0x1d: {  	v4 =	vperm.xlane v3, v0;
	_ =	sdelay $0x1  }
0x1e: {  	v3 =	vperm.xlane v3, v2;
	v4 =	vadd.s32 v1, v4;
	_ =	sdelay $0x1  }
0x1f: {  	v3 =	vadd.s32 v1, v3;
	_ =	sdelay $0x2  }
0x20: {  	[tilespmem:s8], [sflag:$0x1] =	stream.indirect_vreg.gather [hbm4b:s3+s2], $0x80, v4, vm0, $0xb8;
	[tilespmem:$0x8080] =	vst v63  }
0x21: {  	_ = 	snop  }
0x22: {  	[tilespmem:s9], [sflag:$0x1] =	stream.indirect_vreg.gather [hbm4b:s3+s2], $0x80, v3, vm0, $0xb8;
	[tilespmem:$0x8080] =	vst v63  }
0x23: {  	v3 =	vld [tilespmem:$0x10];
	_ =	sdelay $0x4  }
0x24: {  	v57 =	vshll.u32 v3, $0x1  }
0x25: {  	v3 =	vand.u32 $0x7, v3;
	v4 =	vand.u32 $0xFFFFFFF0, v57  }
0x26: {  	v3 =	vor.u32 v3, v4  }
0x27: {  	v4 =	vperm.xlane v3, v0;
	_ =	sdelay $0x1  }
0x28: {  	v3 =	vperm.xlane v3, v2;
	v4 =	vadd.s32 v1, v4;
	_ =	sdelay $0x1  }
0x29: {  	v3 =	vadd.s32 v1, v3;
	_ =	sdelay $0x2  }
0x2a: {  	[tilespmem:s10], [sflag:$0x1] =	stream.indirect_vreg.gather [hbm4b:s3+s2], $0x80, v4, vm0, $0xb8;
	[tilespmem:$0x8080] =	vst v63  }
0x2b: {  	_ = 	snop  }
0x2c: {  	[tilespmem:s11], [sflag:$0x1] =	stream.indirect_vreg.gather [hbm4b:s3+s2], $0x80, v3, vm0, $0xb8;
	[tilespmem:$0x8080] =	vst v63  }
0x2d: {  	v3 =	vld [tilespmem:$0x20];
	_ =	sdelay $0x4  }
0x2e: {  	v58 =	vshll.u32 v3, $0x1  }
0x2f: {  	v3 =	vand.u32 $0x7, v3;
	v4 =	vand.u32 $0xFFFFFFF0, v58  }
0x30: {  	v3 =	vor.u32 v3, v4  }
0x31: {  	v4 =	vperm.xlane v3, v0;
	_ =	sdelay $0x1  }
0x32: {  	v3 =	vperm.xlane v3, v2;
	v4 =	vadd.s32 v1, v4;
	_ =	sdelay $0x1  }
0x33: {  	v3 =	vadd.s32 v1, v3;
	_ =	sdelay $0x2  }
0x34: {  	[tilespmem:s12], [sflag:$0x2] =	stream.indirect_vreg.gather [hbm4b:s3+s2], $0x80, v4, vm0, $0xb8;
	[tilespmem:$0x8080] =	vst v63  }
0x35: {  	_ = 	snop  }
0x36: {  	[tilespmem:s13], [sflag:$0x2] =	stream.indirect_vreg.gather [hbm4b:s3+s2], $0x80, v3, vm0, $0xb8;
	[tilespmem:$0x8080] =	vst v63  }
0x37: {  	v3 =	vld [tilespmem:$0x30];
	_ =	sdelay $0x4  }
0x38: {  	v59 =	vshll.u32 v3, $0x1  }
0x39: {  	v3 =	vand.u32 $0x7, v3;
	v4 =	vand.u32 $0xFFFFFFF0, v59  }
0x3a: {  	v3 =	vor.u32 v3, v4  }
0x3b: {  	v4 =	vperm.xlane v3, v0;
	_ =	sdelay $0x1  }
0x3c: {  	v3 =	vperm.xlane v3, v2;
	v4 =	vadd.s32 v1, v4;
	_ =	sdelay $0x1  }
0x3d: {  	v3 =	vadd.s32 v1, v3;
	_ =	sdelay $0x2  }
0x3e: {  	[tilespmem:s14], [sflag:$0x2] =	stream.indirect_vreg.gather [hbm4b:s3+s2], $0x80, v4, vm0, $0xb8;
	[tilespmem:$0x8080] =	vst v63  }
0x3f: {  	_ = 	snop  }
0x40: {  	[tilespmem:s15], [sflag:$0x2] =	stream.indirect_vreg.gather [hbm4b:s3+s2], $0x80, v3, vm0, $0xb8;
	[tilespmem:$0x8080] =	vst v63  }
0x41: {  	v3 =	vld [tilespmem:$0x40];
	_ =	sdelay $0x4  }
0x42: {  	v60 =	vshll.u32 v3, $0x1  }
0x43: {  	v3 =	vand.u32 $0x7, v3;
	v4 =	vand.u32 $0xFFFFFFF0, v60  }
0x44: {  	v3 =	vor.u32 v3, v4  }
0x45: {  	v4 =	vperm.xlane v3, v0;
	_ =	sdelay $0x1  }
0x46: {  	v3 =	vperm.xlane v3, v2;
	v4 =	vadd.s32 v1, v4;
	_ =	sdelay $0x1  }
0x47: {  	v3 =	vadd.s32 v1, v3;
	_ =	sdelay $0x2  }
0x48: {  	[tilespmem:s16], [sflag:$0x3] =	stream.indirect_vreg.gather [hbm4b:s3+s2], $0x80, v4, vm0, $0xb8;
	[tilespmem:$0x8080] =	vst v63  }
0x49: {  	_ = 	snop  }
0x4a: {  	[tilespmem:s17], [sflag:$0x3] =	stream.indirect_vreg.gather [hbm4b:s3+s2], $0x80, v3, vm0, $0xb8;
	[tilespmem:$0x8080] =	vst v63  }
0x4b: {  	v3 =	vld [tilespmem:$0x50];
	_ =	sdelay $0x4  }
0x4c: {  	v61 =	vshll.u32 v3, $0x1  }
0x4d: {  	v3 =	vand.u32 $0x7, v3;
	v4 =	vand.u32 $0xFFFFFFF0, v61  }
0x4e: {  	v3 =	vor.u32 v3, v4  }
0x4f: {  	v4 =	vperm.xlane v3, v0;
	_ =	sdelay $0x1  }
0x50: {  	v3 =	vperm.xlane v3, v2;
	v4 =	vadd.s32 v1, v4;
	_ =	sdelay $0x1  }
0x51: {  	v3 =	vadd.s32 v1, v3;
	_ =	sdelay $0x2  }
0x52: {  	[tilespmem:s18], [sflag:$0x3] =	stream.indirect_vreg.gather [hbm4b:s3+s2], $0x80, v4, vm0, $0xb8;
	[tilespmem:$0x8080] =	vst v63  }
0x53: {  	_ = 	snop  }
0x54: {  	[tilespmem:s19], [sflag:$0x3] =	stream.indirect_vreg.gather [hbm4b:s3+s2], $0x80, v3, vm0, $0xb8;
	[tilespmem:$0x8080] =	vst v63  }
0x55: {  	v3 =	vld [tilespmem:$0x60];
	_ =	sdelay $0x4  }
0x56: {  	v62 =	vshll.u32 v3, $0x1  }
0x57: {  	v3 =	vand.u32 $0x7, v3;
	v4 =	vand.u32 $0xFFFFFFF0, v62  }
0x58: {  	v3 =	vor.u32 v3, v4  }
0x59: {  	v4 =	vperm.xlane v3, v0;
	_ =	sdelay $0x1  }
0x5a: {  	v3 =	vperm.xlane v3, v2;
	v4 =	vadd.s32 v1, v4;
	_ =	sdelay $0x1  }
0x5b: {  	v3 =	vadd.s32 v1, v3;
	_ =	sdelay $0x2  }
0x5c: {  	[tilespmem:s20], [sflag:$0x4] =	stream.indirect_vreg.gather [hbm4b:s3+s2], $0x80, v4, vm0, $0xb8;
	[tilespmem:$0x8080] =	vst v63  }
0x5d: {  	_ = 	snop  }
0x5e: {  	[tilespmem:s21], [sflag:$0x4] =	stream.indirect_vreg.gather [hbm4b:s3+s2], $0x80, v3, vm0, $0xb8;
	[tilespmem:$0x8080] =	vst v63  }
0x5f: {  	v3 =	vld [tilespmem:$0x70];
	_ =	sdelay $0x4  }
0x60: {  	v63 =	vshll.u32 v3, $0x1  }
0x61: {  	v3 =	vand.u32 $0x7, v3;
	v4 =	vand.u32 $0xFFFFFFF0, v63  }
0x62: {  	v3 =	vor.u32 v3, v4  }
0x63: {  	v4 =	vperm.xlane v3, v0;
	_ =	sdelay $0x1  }
0x64: {  	v3 =	vperm.xlane v3, v2;
	v4 =	vadd.s32 v1, v4;
	_ =	sdelay $0x1  }
0x65: {  	v3 =	vadd.s32 v1, v3;
	_ =	sdelay $0x2  }
0x66: {  	[tilespmem:s22], [sflag:$0x4] =	stream.indirect_vreg.gather [hbm4b:s3+s2], $0x80, v4, vm0, $0xb8;
	[tilespmem:$0x8080] =	vst v63  }
0x67: {  	_ = 	snop  }
0x68: {  	[tilespmem:s23], [sflag:$0x4] =	stream.indirect_vreg.gather [hbm4b:s3+s2], $0x80, v3, vm0, $0xb8;
	[tilespmem:$0x8080] =	vst v63  }
0x69: {  	_ =	swait.ge [sflag:s24], $0x2000  }
0x6a: {  	[sflag:s24] =	ssyncset.done $0x0  }
0x6b: {  	s1 =	rddreg [dreg:$0x4];
	[sflag:s24] =	ssyncadd.s32 $0xFFFFE000  }
0x6c: {  	[hbm4b:s1+s2] =	stream.linear.scatter [tilespmem:s8], [sflag:$0x5], $0x2000, $0x38;
	[tilespmem:$0x8080] =	vst v63  }
0x6d: {  	_ =	swait.ge [sflag:s25], $0x2000  }
0x6e: {  	[sflag:s25] =	ssyncset.done $0x0  }
0x6f: {  	s1 =	rddreg [dreg:$0x5];
	[sflag:s25] =	ssyncadd.s32 $0xFFFFE000  }
0x70: {  	[hbm4b:s1+s2] =	stream.linear.scatter [tilespmem:s12], [sflag:$0x6], $0x2000, $0x38;
	[tilespmem:$0x8080] =	vst v63  }
0x71: {  	_ =	swait.ge [sflag:s26], $0x2000  }
0x72: {  	[sflag:s26] =	ssyncset.done $0x0  }
0x73: {  	[sflag:s26] =	ssyncadd.s32 $0xFFFFE000  }
0x74: {  	[hbm4b:s4+s2] =	stream.linear.scatter [tilespmem:s16], [sflag:$0x7], $0x2000, $0x38;
	[tilespmem:$0x8080] =	vst v63  }
0x75: {  	_ =	swait.ge [sflag:s28], $0x2000  }
0x76: {  	[sflag:s28] =	ssyncset.done $0x0  }
0x77: {  	[sflag:s28] =	ssyncadd.s32 $0xFFFFE000  }
0x78: {  	[hbm4b:s5+s2] =	stream.linear.scatter [tilespmem:s20], [sflag:$0x8], $0x2000, $0x38;
	[tilespmem:$0x8080] =	vst v63  }
0x79: {  	_ =	swait.ge [sflag:s29], $0x2000  }
0x7a: {  	[sflag:s29] =	ssyncset.done $0x0  }
0x7b: {  	[sflag:s29] =	ssyncadd.s32 $0xFFFFE000  }
0x7c: {  	_ =	swait.ge [sflag:s30], $0x2000  }
0x7d: {  	[sflag:s30] =	ssyncset.done $0x0  }
0x7e: {  	[sflag:s30] =	ssyncadd.s32 $0xFFFFE000  }
0x7f: {  	p0 =	sne.s32 s6, $0x1;
	_ =	swait.ge [sflag:s31], $0x2000  }
.Ltmp0:
0x80: {  	[sflag:s31] =	ssyncset.done $0x0;
	(pc) =	sbr.rel @p0 .LBB2_1-.Ltmp0, $4  }
0x81: {  	[sflag:s31] =	ssyncadd.s32 $0xFFFFE000  }
0x82: {  	_ =	swait.ge [sflag:s0], $0x2000  }
0x83: {  	[sflag:s0] =	ssyncset.done $0x0  }
0x84: {  	s6 =	sadd.s32 $0xFFFFFFFF, s6;
	[sflag:s0] =	ssyncadd.s32 $0xFFFFE000  }
0x85: {  	_ =	sfence.sel $0x180000  }
0x86: {  	[bflag:$0x0] =	sbarrier.arrive $0xFFFF  }
0x87: {  	_ =	strace $0x90000047  }
0x88: {  	s0 =	stileid.u32;
	[bflag:$0x2] =	sbarrier.arrive $0xFFFF  }
0x89: {  	p0 =	sne.s32 s0, $0x0;
	s0 =	rddreg [dreg:$0x2]  }
0x8a: {  	s0 =	sadd.s32 @!p0 $0x100000, s0  }
0x8b: {  	[sflag:s0] =	ssyncadd.tile.s32 @!p0 $0x1;
	_ =	shalt  }
.Lfunc_end2:
_tile_overlayer_lowered:
.L_overlay_start_2:
0x8c: {  	(tag) =	ssettag $0x2  }
0x8d: {  	s0 =	rddreg [dreg:$0x0];
	s2 =	stileid.u32  }
0x8e: {  	s1 =	rddreg [dreg:$0x1];
	p0 =	sne.s32 s2, $0x0  }
0x8f: {  	s3 =	rddreg [dreg:$0x2];
	[bflag:$0x3] =	sbarrier.arrive $0xFFFF;
	s2 =	simm.s32 @!p0 $0x1C09  }
0x90: {  	[timem:s3], [sflag:s2] =	dma.local @!p0 [hbm:s0], s1  }
0x91: {  	s0 =	simm.s32 @!p0 $0x9  }
0x92: {  	_ =	swait.ge @!p0 [sflag:s0], s1  }
0x93: {  	s1 =	ssub.s32 @!p0 $0x0, s1;
	[sflag:s0] =	ssyncset.done @!p0 $0x0  }
0x94: {  	[sflag:s0] =	ssyncadd.s32 @!p0 s1  }
0x95: {  	[bflag:$0x3] =	sbarrier.arrive $0xFFFF  }
0x96: {  	_ =	shalt  }

</sc_bundles>
